<compile_context>
chip_gen: v7x
topology: tpu7x:2x2x1
jax: 0.10.2.dev20260603
libtpu: 0.0.44.dev20260713+nightly
codegen_flags: <defaults>
</compile_context>

<pallas_src>
import functools

import jax
import jax.numpy as jnp
from jax import lax
from jax.experimental import pallas as pl
from jax.experimental.pallas import tpu as pltpu
from jax.experimental.pallas import tpu_sc as plsc

EPS = 1e-5

_NC = 2
_NS = 16
_NW = _NC * _NS


def _sc_gather(table, flat_ids, tok0, n_tok):
    d = table.shape[1]
    b_per_w = n_tok // _NW
    chunk = min(64, b_per_w)
    n_chunks = b_per_w // chunk
    mesh = plsc.VectorSubcoreMesh(core_axis_name="c", subcore_axis_name="s")

    @functools.partial(
        pl.kernel,
        mesh=mesh,
        out_type=jax.ShapeDtypeStruct((n_tok, d), jnp.float32),
        scratch_types=[
            pltpu.VMEM((b_per_w,), jnp.int32),
            pltpu.VMEM((chunk, d), jnp.float32),
            pltpu.VMEM((chunk, d), jnp.float32),
            pltpu.SemaphoreType.DMA,
            pltpu.SemaphoreType.DMA,
            pltpu.SemaphoreType.DMA,
            pltpu.SemaphoreType.DMA,
        ],
    )
    def gather_kernel(table_hbm, idx_hbm, out_hbm, idx_v, rows0, rows1,
                      g0, g1, w0, w1):
        wid = lax.axis_index("s") * _NC + lax.axis_index("c")
        base = wid * b_per_w
        bufs, gsems, wsems = [rows0, rows1], [g0, g1], [w0, w1]
        pltpu.sync_copy(idx_hbm.at[pl.ds(tok0 + base, b_per_w)], idx_v)

        def gather_start(c):
            idx_c = idx_v.at[pl.ds(c * chunk, chunk)]
            return pltpu.async_copy(table_hbm.at[idx_c], bufs[c % 2],
                                    gsems[c % 2])

        def write_start(c):
            return pltpu.async_copy(bufs[c % 2],
                                    out_hbm.at[pl.ds(base + c * chunk, chunk)],
                                    wsems[c % 2])

        gathers = [gather_start(0)]
        writes = [None, None]
        for c in range(n_chunks):
            gathers[c].wait()
            if c >= 1:
                writes[(c - 1) % 2].wait()
            if c + 1 < n_chunks:
                gathers.append(gather_start(c + 1))
            writes[c % 2] = write_start(c)
        writes[(n_chunks - 1) % 2].wait()

    return gather_kernel(table, flat_ids)


def _ln_compute(w_ref, t_ref, pos_ref, ttab_ref, sc_ref, of_ref, out_ref):
    bb = w_ref.shape[0]
    base = pos_ref[...] + ttab_ref[0:1, :]
    diff = ttab_ref[1:2, :] - ttab_ref[0:1, :]
    for j in range(bb):
        tf = t_ref[j].T.astype(jnp.float32)
        x = w_ref[j] + base + tf * diff
        mean = jnp.mean(x, axis=1, keepdims=True)
        xc = x - mean
        var = jnp.mean(xc * xc, axis=1, keepdims=True)
        y = xc * lax.rsqrt(var + EPS)
        out_ref[j] = y * sc_ref[...] + of_ref[...]


def _ln_compute_aliased(buf_ref, w_ref, t_ref, pos_ref, ttab_ref, sc_ref,
                        of_ref, out_ref):
    del buf_ref
    _ln_compute(w_ref, t_ref, pos_ref, ttab_ref, sc_ref, of_ref, out_ref)


def _tc_add_ln(word_emb, tt3, pos, ttab, sc2, of2, b_total, c0, out_buf):
    bc, s, d = word_emb.shape
    bb = 4
    off = c0 // bb
    coff = c0 // bb
    in_specs = [
        pl.BlockSpec((bb, s, d), lambda i: (i, 0, 0)),
        pl.BlockSpec((bb, 1, s), lambda i, _o=coff: (i + _o, 0, 0)),
        pl.BlockSpec((s, d), lambda i: (0, 0)),
        pl.BlockSpec((2, d), lambda i: (0, 0)),
        pl.BlockSpec((1, d), lambda i: (0, 0)),
        pl.BlockSpec((1, d), lambda i: (0, 0)),
    ]
    args = (word_emb, tt3, pos, ttab, sc2, of2)
    out_spec = pl.BlockSpec((bb, s, d), lambda i, _o=off: (i + _o, 0, 0))
    out_shape = jax.ShapeDtypeStruct((b_total, s, d), jnp.float32)
    if out_buf is None:
        return pl.pallas_call(
            _ln_compute, grid=(bc // bb,), in_specs=in_specs,
            out_specs=out_spec, out_shape=out_shape)(*args)
    return pl.pallas_call(
        _ln_compute_aliased, grid=(bc // bb,),
        in_specs=[pl.BlockSpec(memory_space=pl.ANY)] + in_specs,
        out_specs=out_spec, out_shape=out_shape,
        input_output_aliases={0: 0})(out_buf, *args)


@jax.jit
def kernel(input_ids, token_type_ids, word_table, pos_table, type_table, ln_scale, ln_offset):
    b, s = input_ids.shape
    d = word_table.shape[1]
    plan = [16, 16]
    flat_ids = input_ids.reshape(b * s)
    tt3 = token_type_ids.reshape(b, 1, s)
    pos = pos_table[:s]
    sc2 = ln_scale.reshape(1, d)
    of2 = ln_offset.reshape(1, d)
    out = None
    c0 = 0
    for bc in plan:
        w_c = _sc_gather(word_table, flat_ids, c0 * s, bc * s).reshape(bc, s, d)
        out = _tc_add_ln(w_c, tt3, pos, type_table, sc2, of2, b, c0, out)
        c0 += bc
    return out

# --- scband reference (transcript-rebuilt; emitter-appended) ---
"""Pipeline reference for scband-embeddings-30734785970631 (READ-ONLY COPY).

The authoritative reference and input builder live on the scoring server;
editing this copy changes nothing except your own understanding.
"""

import jax, jax.numpy as jnp
import numpy as np

VOCAB = 30522
HIDDEN = 768
MAX_POS = 512
TYPE_VOCAB = 2
B = 32
S = 512
EPS = 1e-5


def setup_inputs(seed: int = 0) -> dict:
    key = jax.random.key(seed)
    k1, k2, k3, k4, k5 = jax.random.split(key, 5)
    input_ids = jax.random.randint(k1, (B, S), 0, VOCAB, dtype=jnp.int32)
    token_type_ids = jax.random.randint(k2, (B, S), 0, TYPE_VOCAB, dtype=jnp.int32)
    word_table = jax.random.normal(k3, (VOCAB, HIDDEN), dtype=jnp.float32) * 0.02
    pos_table = jax.random.normal(k4, (MAX_POS, HIDDEN), dtype=jnp.float32) * 0.02
    type_table = jax.random.normal(k5, (TYPE_VOCAB, HIDDEN), dtype=jnp.float32) * 0.02
    ln_scale = jnp.ones((HIDDEN,), dtype=jnp.float32)
    ln_offset = jnp.zeros((HIDDEN,), dtype=jnp.float32)
    return {
        "input_ids": input_ids,
        "token_type_ids": token_type_ids,
        "word_table": word_table,
        "pos_table": pos_table,
        "type_table": type_table,
        "ln_scale": ln_scale,
        "ln_offset": ln_offset,
    }


def reference(input_ids, token_type_ids, word_table, pos_table, type_table, ln_scale, ln_offset):
    b, s = input_ids.shape
    h = word_table.shape[1]
    # WordEmbeddings: flatten ids, embed, reshape back (mirrors hk.Embed lookup)
    flat_input_ids = jnp.reshape(input_ids, [b * s])
    word_emb = jnp.take(word_table, flat_input_ids, axis=0)
    word_emb = jnp.reshape(word_emb, [b, s, h])
    # TokenTypeEmbeddings: same pattern
    flat_type_ids = jnp.reshape(token_type_ids, [b * s])
    type_emb = jnp.take(type_table, flat_type_ids, axis=0)
    type_emb = jnp.reshape(type_emb, [b, s, h])
    # PositionEmbeddings: slice [offset : offset + max_position_embeddings]
    pos_emb = pos_table[0:s][None, :, :]
    x = word_emb + pos_emb + type_emb
    # LayerNorm over last axis with scale + offset (haiku default eps)
    mean = jnp.mean(x, axis=-1, keepdims=True)
    var = jnp.var(x, axis=-1, keepdims=True)
    x = (x - mean) * jax.lax.rsqrt(var + EPS)
    return x * ln_scale + ln_offset

if __name__ == "__main__":
    import jax
    _d = setup_inputs()
    print(jax.jit(kernel)(*tuple(_d.values())))

</pallas_src>

<mosaic_0001>
#map = affine_map<(d0, d1) -> (0, 0)>
#map1 = affine_map<(d0, d1) -> (0)>
module attributes {stable_mosaic.version = 14 : i64} {
  func.func @gather_kernel(%arg0: i32, %arg1: i32, %arg2: memref<30522x768xf32, #tpu.memory_space<hbm>>, %arg3: memref<16384xi32, #tpu.memory_space<hbm>>, %arg4: memref<8192x768xf32, #tpu.memory_space<hbm>>, %arg5: memref<256xi32, #tpu.memory_space<vmem>>, %arg6: memref<64x768xf32, #tpu.memory_space<vmem>>, %arg7: memref<64x768xf32, #tpu.memory_space<vmem>>, %arg8: memref<!tpu.dma_semaphore, #tpu.memory_space<semaphore_mem>>, %arg9: memref<!tpu.dma_semaphore, #tpu.memory_space<semaphore_mem>>, %arg10: memref<!tpu.dma_semaphore, #tpu.memory_space<semaphore_mem>>, %arg11: memref<!tpu.dma_semaphore, #tpu.memory_space<semaphore_mem>>) attributes {dimension_semantics = [#tpu.dimension_semantics<core_parallel>, #tpu.dimension_semantics<subcore_parallel>], iteration_bounds = array<i64: 2, 16>, scalar_prefetch = 0 : i64, scratch_operands = 7 : i64, tpu.core_type = #tpu.core_type<sc_vector_subcore>, window_params = [{transform_indices = #map}, {transform_indices = #map1}, {transform_indices = #map}]} {
    %mul3A = arith.constant 2 : i32
    %mul3A_0 = arith.muli %arg1, %mul3A : i32
    %add3A = arith.addi %mul3A_0, %arg0 : i32
    %mul3A_1 = arith.constant 256 : i32
    %mul3A_2 = arith.muli %add3A, %mul3A_1 : i32
    %add3A_3 = arith.constant 0 : i32
    %add3A_4 = arith.addi %add3A_3, %mul3A_2 : i32
    "tpu.region"() ({
      %run_scoped3A = tpu.sem_alloc : memref<!tpu.dma_semaphore, #tpu.memory_space<semaphore_mem>>
      %dma_start3A_83 = tpu.memref_slice %arg3[%add3A_4] : memref<16384xi32, #tpu.memory_space<hbm>> -> memref<256xi32, #tpu.memory_space<hbm>>
      %dma_start3A_84 = tpu.memref_slice %arg3[%add3A_4] : memref<16384xi32, #tpu.memory_space<hbm>> -> memref<256xi32, #tpu.memory_space<hbm>>
      tpu.enqueue_dma source(%dma_start3A_84 : memref<256xi32, #tpu.memory_space<hbm>>) target(%arg5 : memref<256xi32, #tpu.memory_space<vmem>>) target_semaphore(%run_scoped3A : memref<!tpu.dma_semaphore, #tpu.memory_space<semaphore_mem>>)
      %dma_wait3A_85 = tpu.memref_slice %arg3[%add3A_4] : memref<16384xi32, #tpu.memory_space<hbm>> -> memref<256xi32, #tpu.memory_space<hbm>>
      %dma_wait3A_86 = tpu.memref_slice %arg3[%add3A_4] : memref<16384xi32, #tpu.memory_space<hbm>> -> memref<256xi32, #tpu.memory_space<hbm>>
      tpu.wait_dma2 semaphore(%run_scoped3A : memref<!tpu.dma_semaphore, #tpu.memory_space<semaphore_mem>>) src(%dma_wait3A_86 : memref<256xi32, #tpu.memory_space<hbm>>) dst(%arg5 : memref<256xi32, #tpu.memory_space<vmem>>)
      tpu.yield
    }) : () -> ()
    %dma_start3A = arith.constant 0 : i32
    %dma_start3A_5 = tpu.memref_slice %arg5[%dma_start3A] : memref<256xi32, #tpu.memory_space<vmem>> -> memref<64xi32, #tpu.memory_space<vmem>>
    %dma_start3A_6 = arith.constant 0 : i32
    %dma_start3A_7 = arith.constant 0 : i32
    %dma_start3A_8 = tpu.memref_slice %arg2[%dma_start3A_6, %dma_start3A_7] : memref<30522x768xf32, #tpu.memory_space<hbm>> -> memref<30522x768xf32, #tpu.memory_space<hbm>>
    tpu.enqueue_indirect_dma source(%dma_start3A_8 : memref<30522x768xf32, #tpu.memory_space<hbm>>) target(%arg6 : memref<64x768xf32, #tpu.memory_space<vmem>>) offsets(%dma_start3A_5 : memref<64xi32, #tpu.memory_space<vmem>>) semaphore(%arg8 : memref<!tpu.dma_semaphore, #tpu.memory_space<semaphore_mem>>)
    %dma_wait3A = arith.constant 0 : i32
    %dma_wait3A_9 = tpu.memref_slice %arg5[%dma_wait3A] : memref<256xi32, #tpu.memory_space<vmem>> -> memref<64xi32, #tpu.memory_space<vmem>>
    %dma_wait3A_10 = arith.constant 0 : i32
    %dma_wait3A_11 = arith.constant 0 : i32
    %dma_wait3A_12 = tpu.memref_slice %arg2[%dma_wait3A_10, %dma_wait3A_11] : memref<30522x768xf32, #tpu.memory_space<hbm>> -> memref<30522x768xf32, #tpu.memory_space<hbm>>
    tpu.wait_indirect_dma semaphore(%arg8 : memref<!tpu.dma_semaphore, #tpu.memory_space<semaphore_mem>>) src(%dma_wait3A_12 : memref<30522x768xf32, #tpu.memory_space<hbm>>) dst(%arg6 : memref<64x768xf32, #tpu.memory_space<vmem>>)
    %dma_start3A_13 = arith.constant 64 : i32
    %dma_start3A_14 = tpu.memref_slice %arg5[%dma_start3A_13] : memref<256xi32, #tpu.memory_space<vmem>> -> memref<64xi32, #tpu.memory_space<vmem>>
    %dma_start3A_15 = arith.constant 0 : i32
    %dma_start3A_16 = arith.constant 0 : i32
    %dma_start3A_17 = tpu.memref_slice %arg2[%dma_start3A_15, %dma_start3A_16] : memref<30522x768xf32, #tpu.memory_space<hbm>> -> memref<30522x768xf32, #tpu.memory_space<hbm>>
    tpu.enqueue_indirect_dma source(%dma_start3A_17 : memref<30522x768xf32, #tpu.memory_space<hbm>>) target(%arg7 : memref<64x768xf32, #tpu.memory_space<vmem>>) offsets(%dma_start3A_14 : memref<64xi32, #tpu.memory_space<vmem>>) semaphore(%arg9 : memref<!tpu.dma_semaphore, #tpu.memory_space<semaphore_mem>>)
    %add3A_18 = arith.constant 0 : i32
    %add3A_19 = arith.addi %mul3A_2, %add3A_18 : i32
    %dma_start3A_20 = arith.constant 0 : i32
    %dma_start3A_21 = tpu.memref_slice %arg4[%add3A_19, %dma_start3A_20] : memref<8192x768xf32, #tpu.memory_space<hbm>> -> memref<64x768xf32, #tpu.memory_space<hbm>>
    %dma_start3A_22 = arith.constant 0 : i32
    %dma_start3A_23 = tpu.memref_slice %arg4[%add3A_19, %dma_start3A_22] : memref<8192x768xf32, #tpu.memory_space<hbm>> -> memref<64x768xf32, #tpu.memory_space<hbm>>
    tpu.enqueue_dma source(%arg6 : memref<64x768xf32, #tpu.memory_space<vmem>>) target(%dma_start3A_23 : memref<64x768xf32, #tpu.memory_space<hbm>>) target_semaphore(%arg10 : memref<!tpu.dma_semaphore, #tpu.memory_space<semaphore_mem>>)
    %dma_wait3A_24 = arith.constant 64 : i32
    %dma_wait3A_25 = tpu.memref_slice %arg5[%dma_wait3A_24] : memref<256xi32, #tpu.memory_space<vmem>> -> memref<64xi32, #tpu.memory_space<vmem>>
    %dma_wait3A_26 = arith.constant 0 : i32
    %dma_wait3A_27 = arith.constant 0 : i32
    %dma_wait3A_28 = tpu.memref_slice %arg2[%dma_wait3A_26, %dma_wait3A_27] : memref<30522x768xf32, #tpu.memory_space<hbm>> -> memref<30522x768xf32, #tpu.memory_space<hbm>>
    tpu.wait_indirect_dma semaphore(%arg9 : memref<!tpu.dma_semaphore, #tpu.memory_space<semaphore_mem>>) src(%dma_wait3A_28 : memref<30522x768xf32, #tpu.memory_space<hbm>>) dst(%arg7 : memref<64x768xf32, #tpu.memory_space<vmem>>)
    %dma_wait3A_29 = arith.constant 0 : i32
    %dma_wait3A_30 = tpu.memref_slice %arg4[%add3A_19, %dma_wait3A_29] : memref<8192x768xf32, #tpu.memory_space<hbm>> -> memref<64x768xf32, #tpu.memory_space<hbm>>
    %dma_wait3A_31 = arith.constant 0 : i32
    %dma_wait3A_32 = tpu.memref_slice %arg4[%add3A_19, %dma_wait3A_31] : memref<8192x768xf32, #tpu.memory_space<hbm>> -> memref<64x768xf32, #tpu.memory_space<hbm>>
    tpu.wait_dma2 semaphore(%arg10 : memref<!tpu.dma_semaphore, #tpu.memory_space<semaphore_mem>>) src(%arg6 : memref<64x768xf32, #tpu.memory_space<vmem>>) dst(%dma_wait3A_32 : memref<64x768xf32, #tpu.memory_space<hbm>>)
    %dma_start3A_33 = arith.constant 128 : i32
    %dma_start3A_34 = tpu.memref_slice %arg5[%dma_start3A_33] : memref<256xi32, #tpu.memory_space<vmem>> -> memref<64xi32, #tpu.memory_space<vmem>>
    %dma_start3A_35 = arith.constant 0 : i32
    %dma_start3A_36 = arith.constant 0 : i32
    %dma_start3A_37 = tpu.memref_slice %arg2[%dma_start3A_35, %dma_start3A_36] : memref<30522x768xf32, #tpu.memory_space<hbm>> -> memref<30522x768xf32, #tpu.memory_space<hbm>>
    tpu.enqueue_indirect_dma source(%dma_start3A_37 : memref<30522x768xf32, #tpu.memory_space<hbm>>) target(%arg6 : memref<64x768xf32, #tpu.memory_space<vmem>>) offsets(%dma_start3A_34 : memref<64xi32, #tpu.memory_space<vmem>>) semaphore(%arg8 : memref<!tpu.dma_semaphore, #tpu.memory_space<semaphore_mem>>)
    %add3A_38 = arith.constant 64 : i32
    %add3A_39 = arith.addi %mul3A_2, %add3A_38 : i32
    %dma_start3A_40 = arith.constant 0 : i32
    %dma_start3A_41 = tpu.memref_slice %arg4[%add3A_39, %dma_start3A_40] : memref<8192x768xf32, #tpu.memory_space<hbm>> -> memref<64x768xf32, #tpu.memory_space<hbm>>
    %dma_start3A_42 = arith.constant 0 : i32
    %dma_start3A_43 = tpu.memref_slice %arg4[%add3A_39, %dma_start3A_42] : memref<8192x768xf32, #tpu.memory_space<hbm>> -> memref<64x768xf32, #tpu.memory_space<hbm>>
    tpu.enqueue_dma source(%arg7 : memref<64x768xf32, #tpu.memory_space<vmem>>) target(%dma_start3A_43 : memref<64x768xf32, #tpu.memory_space<hbm>>) target_semaphore(%arg11 : memref<!tpu.dma_semaphore, #tpu.memory_space<semaphore_mem>>)
    %dma_wait3A_44 = arith.constant 128 : i32
    %dma_wait3A_45 = tpu.memref_slice %arg5[%dma_wait3A_44] : memref<256xi32, #tpu.memory_space<vmem>> -> memref<64xi32, #tpu.memory_space<vmem>>
    %dma_wait3A_46 = arith.constant 0 : i32
    %dma_wait3A_47 = arith.constant 0 : i32
    %dma_wait3A_48 = tpu.memref_slice %arg2[%dma_wait3A_46, %dma_wait3A_47] : memref<30522x768xf32, #tpu.memory_space<hbm>> -> memref<30522x768xf32, #tpu.memory_space<hbm>>
    tpu.wait_indirect_dma semaphore(%arg8 : memref<!tpu.dma_semaphore, #tpu.memory_space<semaphore_mem>>) src(%dma_wait3A_48 : memref<30522x768xf32, #tpu.memory_space<hbm>>) dst(%arg6 : memref<64x768xf32, #tpu.memory_space<vmem>>)
    %dma_wait3A_49 = arith.constant 0 : i32
    %dma_wait3A_50 = tpu.memref_slice %arg4[%add3A_39, %dma_wait3A_49] : memref<8192x768xf32, #tpu.memory_space<hbm>> -> memref<64x768xf32, #tpu.memory_space<hbm>>
    %dma_wait3A_51 = arith.constant 0 : i32
    %dma_wait3A_52 = tpu.memref_slice %arg4[%add3A_39, %dma_wait3A_51] : memref<8192x768xf32, #tpu.memory_space<hbm>> -> memref<64x768xf32, #tpu.memory_space<hbm>>
    tpu.wait_dma2 semaphore(%arg11 : memref<!tpu.dma_semaphore, #tpu.memory_space<semaphore_mem>>) src(%arg7 : memref<64x768xf32, #tpu.memory_space<vmem>>) dst(%dma_wait3A_52 : memref<64x768xf32, #tpu.memory_space<hbm>>)
    %dma_start3A_53 = arith.constant 192 : i32
    %dma_start3A_54 = tpu.memref_slice %arg5[%dma_start3A_53] : memref<256xi32, #tpu.memory_space<vmem>> -> memref<64xi32, #tpu.memory_space<vmem>>
    %dma_start3A_55 = arith.constant 0 : i32
    %dma_start3A_56 = arith.constant 0 : i32
    %dma_start3A_57 = tpu.memref_slice %arg2[%dma_start3A_55, %dma_start3A_56] : memref<30522x768xf32, #tpu.memory_space<hbm>> -> memref<30522x768xf32, #tpu.memory_space<hbm>>
    tpu.enqueue_indirect_dma source(%dma_start3A_57 : memref<30522x768xf32, #tpu.memory_space<hbm>>) target(%arg7 : memref<64x768xf32, #tpu.memory_space<vmem>>) offsets(%dma_start3A_54 : memref<64xi32, #tpu.memory_space<vmem>>) semaphore(%arg9 : memref<!tpu.dma_semaphore, #tpu.memory_space<semaphore_mem>>)
    %add3A_58 = arith.constant 128 : i32
    %add3A_59 = arith.addi %mul3A_2, %add3A_58 : i32
    %dma_start3A_60 = arith.constant 0 : i32
    %dma_start3A_61 = tpu.memref_slice %arg4[%add3A_59, %dma_start3A_60] : memref<8192x768xf32, #tpu.memory_space<hbm>> -> memref<64x768xf32, #tpu.memory_space<hbm>>
    %dma_start3A_62 = arith.constant 0 : i32
    %dma_start3A_63 = tpu.memref_slice %arg4[%add3A_59, %dma_start3A_62] : memref<8192x768xf32, #tpu.memory_space<hbm>> -> memref<64x768xf32, #tpu.memory_space<hbm>>
    tpu.enqueue_dma source(%arg6 : memref<64x768xf32, #tpu.memory_space<vmem>>) target(%dma_start3A_63 : memref<64x768xf32, #tpu.memory_space<hbm>>) target_semaphore(%arg10 : memref<!tpu.dma_semaphore, #tpu.memory_space<semaphore_mem>>)
    %dma_wait3A_64 = arith.constant 192 : i32
    %dma_wait3A_65 = tpu.memref_slice %arg5[%dma_wait3A_64] : memref<256xi32, #tpu.memory_space<vmem>> -> memref<64xi32, #tpu.memory_space<vmem>>
    %dma_wait3A_66 = arith.constant 0 : i32
    %dma_wait3A_67 = arith.constant 0 : i32
    %dma_wait3A_68 = tpu.memref_slice %arg2[%dma_wait3A_66, %dma_wait3A_67] : memref<30522x768xf32, #tpu.memory_space<hbm>> -> memref<30522x768xf32, #tpu.memory_space<hbm>>
    tpu.wait_indirect_dma semaphore(%arg9 : memref<!tpu.dma_semaphore, #tpu.memory_space<semaphore_mem>>) src(%dma_wait3A_68 : memref<30522x768xf32, #tpu.memory_space<hbm>>) dst(%arg7 : memref<64x768xf32, #tpu.memory_space<vmem>>)
    %dma_wait3A_69 = arith.constant 0 : i32
    %dma_wait3A_70 = tpu.memref_slice %arg4[%add3A_59, %dma_wait3A_69] : memref<8192x768xf32, #tpu.memory_space<hbm>> -> memref<64x768xf32, #tpu.memory_space<hbm>>
    %dma_wait3A_71 = arith.constant 0 : i32
    %dma_wait3A_72 = tpu.memref_slice %arg4[%add3A_59, %dma_wait3A_71] : memref<8192x768xf32, #tpu.memory_space<hbm>> -> memref<64x768xf32, #tpu.memory_space<hbm>>
    tpu.wait_dma2 semaphore(%arg10 : memref<!tpu.dma_semaphore, #tpu.memory_space<semaphore_mem>>) src(%arg6 : memref<64x768xf32, #tpu.memory_space<vmem>>) dst(%dma_wait3A_72 : memref<64x768xf32, #tpu.memory_space<hbm>>)
    %add3A_73 = arith.constant 192 : i32
    %add3A_74 = arith.addi %mul3A_2, %add3A_73 : i32
    %dma_start3A_75 = arith.constant 0 : i32
    %dma_start3A_76 = tpu.memref_slice %arg4[%add3A_74, %dma_start3A_75] : memref<8192x768xf32, #tpu.memory_space<hbm>> -> memref<64x768xf32, #tpu.memory_space<hbm>>
    %dma_start3A_77 = arith.constant 0 : i32
    %dma_start3A_78 = tpu.memref_slice %arg4[%add3A_74, %dma_start3A_77] : memref<8192x768xf32, #tpu.memory_space<hbm>> -> memref<64x768xf32, #tpu.memory_space<hbm>>
    tpu.enqueue_dma source(%arg7 : memref<64x768xf32, #tpu.memory_space<vmem>>) target(%dma_start3A_78 : memref<64x768xf32, #tpu.memory_space<hbm>>) target_semaphore(%arg11 : memref<!tpu.dma_semaphore, #tpu.memory_space<semaphore_mem>>)
    %dma_wait3A_79 = arith.constant 0 : i32
    %dma_wait3A_80 = tpu.memref_slice %arg4[%add3A_74, %dma_wait3A_79] : memref<8192x768xf32, #tpu.memory_space<hbm>> -> memref<64x768xf32, #tpu.memory_space<hbm>>
    %dma_wait3A_81 = arith.constant 0 : i32
    %dma_wait3A_82 = tpu.memref_slice %arg4[%add3A_74, %dma_wait3A_81] : memref<8192x768xf32, #tpu.memory_space<hbm>> -> memref<64x768xf32, #tpu.memory_space<hbm>>
    tpu.wait_dma2 semaphore(%arg11 : memref<!tpu.dma_semaphore, #tpu.memory_space<semaphore_mem>>) src(%arg7 : memref<64x768xf32, #tpu.memory_space<vmem>>) dst(%dma_wait3A_82 : memref<64x768xf32, #tpu.memory_space<hbm>>)
    return
  }
}

#map = affine_map<(d0, d1) -> (0, 0)>
#map1 = affine_map<(d0, d1) -> (0)>
module attributes {stable_mosaic.version = 14 : i64} {
  func.func @gather_kernel(%arg0: i32, %arg1: i32, %arg2: memref<30522x768xf32, #tpu.memory_space<hbm>>, %arg3: memref<16384xi32, #tpu.memory_space<hbm>>, %arg4: memref<8192x768xf32, #tpu.memory_space<hbm>>, %arg5: memref<256xi32, #tpu.memory_space<vmem>>, %arg6: memref<64x768xf32, #tpu.memory_space<vmem>>, %arg7: memref<64x768xf32, #tpu.memory_space<vmem>>, %arg8: memref<!tpu.dma_semaphore, #tpu.memory_space<semaphore_mem>>, %arg9: memref<!tpu.dma_semaphore, #tpu.memory_space<semaphore_mem>>, %arg10: memref<!tpu.dma_semaphore, #tpu.memory_space<semaphore_mem>>, %arg11: memref<!tpu.dma_semaphore, #tpu.memory_space<semaphore_mem>>) attributes {dimension_semantics = [#tpu.dimension_semantics<core_parallel>, #tpu.dimension_semantics<subcore_parallel>], iteration_bounds = array<i64: 2, 16>, scalar_prefetch = 0 : i64, scratch_operands = 7 : i64, tpu.core_type = #tpu.core_type<sc_vector_subcore>, window_params = [{transform_indices = #map}, {transform_indices = #map1}, {transform_indices = #map}]} {
    %mul3A = arith.constant 2 : i32
    %mul3A_0 = arith.muli %arg1, %mul3A : i32
    %add3A = arith.addi %mul3A_0, %arg0 : i32
    %mul3A_1 = arith.constant 256 : i32
    %mul3A_2 = arith.muli %add3A, %mul3A_1 : i32
    %add3A_3 = arith.constant 8192 : i32
    %add3A_4 = arith.addi %add3A_3, %mul3A_2 : i32
    "tpu.region"() ({
      %run_scoped3A = tpu.sem_alloc : memref<!tpu.dma_semaphore, #tpu.memory_space<semaphore_mem>>
      %dma_start3A_83 = tpu.memref_slice %arg3[%add3A_4] : memref<16384xi32, #tpu.memory_space<hbm>> -> memref<256xi32, #tpu.memory_space<hbm>>
      %dma_start3A_84 = tpu.memref_slice %arg3[%add3A_4] : memref<16384xi32, #tpu.memory_space<hbm>> -> memref<256xi32, #tpu.memory_space<hbm>>
      tpu.enqueue_dma source(%dma_start3A_84 : memref<256xi32, #tpu.memory_space<hbm>>) target(%arg5 : memref<256xi32, #tpu.memory_space<vmem>>) target_semaphore(%run_scoped3A : memref<!tpu.dma_semaphore, #tpu.memory_space<semaphore_mem>>)
      %dma_wait3A_85 = tpu.memref_slice %arg3[%add3A_4] : memref<16384xi32, #tpu.memory_space<hbm>> -> memref<256xi32, #tpu.memory_space<hbm>>
      %dma_wait3A_86 = tpu.memref_slice %arg3[%add3A_4] : memref<16384xi32, #tpu.memory_space<hbm>> -> memref<256xi32, #tpu.memory_space<hbm>>
      tpu.wait_dma2 semaphore(%run_scoped3A : memref<!tpu.dma_semaphore, #tpu.memory_space<semaphore_mem>>) src(%dma_wait3A_86 : memref<256xi32, #tpu.memory_space<hbm>>) dst(%arg5 : memref<256xi32, #tpu.memory_space<vmem>>)
      tpu.yield
    }) : () -> ()
    %dma_start3A = arith.constant 0 : i32
    %dma_start3A_5 = tpu.memref_slice %arg5[%dma_start3A] : memref<256xi32, #tpu.memory_space<vmem>> -> memref<64xi32, #tpu.memory_space<vmem>>
    %dma_start3A_6 = arith.constant 0 : i32
    %dma_start3A_7 = arith.constant 0 : i32
    %dma_start3A_8 = tpu.memref_slice %arg2[%dma_start3A_6, %dma_start3A_7] : memref<30522x768xf32, #tpu.memory_space<hbm>> -> memref<30522x768xf32, #tpu.memory_space<hbm>>
    tpu.enqueue_indirect_dma source(%dma_start3A_8 : memref<30522x768xf32, #tpu.memory_space<hbm>>) target(%arg6 : memref<64x768xf32, #tpu.memory_space<vmem>>) offsets(%dma_start3A_5 : memref<64xi32, #tpu.memory_space<vmem>>) semaphore(%arg8 : memref<!tpu.dma_semaphore, #tpu.memory_space<semaphore_mem>>)
    %dma_wait3A = arith.constant 0 : i32
    %dma_wait3A_9 = tpu.memref_slice %arg5[%dma_wait3A] : memref<256xi32, #tpu.memory_space<vmem>> -> memref<64xi32, #tpu.memory_space<vmem>>
    %dma_wait3A_10 = arith.constant 0 : i32
    %dma_wait3A_11 = arith.constant 0 : i32
    %dma_wait3A_12 = tpu.memref_slice %arg2[%dma_wait3A_10, %dma_wait3A_11] : memref<30522x768xf32, #tpu.memory_space<hbm>> -> memref<30522x768xf32, #tpu.memory_space<hbm>>
    tpu.wait_indirect_dma semaphore(%arg8 : memref<!tpu.dma_semaphore, #tpu.memory_space<semaphore_mem>>) src(%dma_wait3A_12 : memref<30522x768xf32, #tpu.memory_space<hbm>>) dst(%arg6 : memref<64x768xf32, #tpu.memory_space<vmem>>)
    %dma_start3A_13 = arith.constant 64 : i32
    %dma_start3A_14 = tpu.memref_slice %arg5[%dma_start3A_13] : memref<256xi32, #tpu.memory_space<vmem>> -> memref<64xi32, #tpu.memory_space<vmem>>
    %dma_start3A_15 = arith.constant 0 : i32
    %dma_start3A_16 = arith.constant 0 : i32
    %dma_start3A_17 = tpu.memref_slice %arg2[%dma_start3A_15, %dma_start3A_16] : memref<30522x768xf32, #tpu.memory_space<hbm>> -> memref<30522x768xf32, #tpu.memory_space<hbm>>
    tpu.enqueue_indirect_dma source(%dma_start3A_17 : memref<30522x768xf32, #tpu.memory_space<hbm>>) target(%arg7 : memref<64x768xf32, #tpu.memory_space<vmem>>) offsets(%dma_start3A_14 : memref<64xi32, #tpu.memory_space<vmem>>) semaphore(%arg9 : memref<!tpu.dma_semaphore, #tpu.memory_space<semaphore_mem>>)
    %add3A_18 = arith.constant 0 : i32
    %add3A_19 = arith.addi %mul3A_2, %add3A_18 : i32
    %dma_start3A_20 = arith.constant 0 : i32
    %dma_start3A_21 = tpu.memref_slice %arg4[%add3A_19, %dma_start3A_20] : memref<8192x768xf32, #tpu.memory_space<hbm>> -> memref<64x768xf32, #tpu.memory_space<hbm>>
    %dma_start3A_22 = arith.constant 0 : i32
    %dma_start3A_23 = tpu.memref_slice %arg4[%add3A_19, %dma_start3A_22] : memref<8192x768xf32, #tpu.memory_space<hbm>> -> memref<64x768xf32, #tpu.memory_space<hbm>>
    tpu.enqueue_dma source(%arg6 : memref<64x768xf32, #tpu.memory_space<vmem>>) target(%dma_start3A_23 : memref<64x768xf32, #tpu.memory_space<hbm>>) target_semaphore(%arg10 : memref<!tpu.dma_semaphore, #tpu.memory_space<semaphore_mem>>)
    %dma_wait3A_24 = arith.constant 64 : i32
    %dma_wait3A_25 = tpu.memref_slice %arg5[%dma_wait3A_24] : memref<256xi32, #tpu.memory_space<vmem>> -> memref<64xi32, #tpu.memory_space<vmem>>
    %dma_wait3A_26 = arith.constant 0 : i32
    %dma_wait3A_27 = arith.constant 0 : i32
    %dma_wait3A_28 = tpu.memref_slice %arg2[%dma_wait3A_26, %dma_wait3A_27] : memref<30522x768xf32, #tpu.memory_space<hbm>> -> memref<30522x768xf32, #tpu.memory_space<hbm>>
    tpu.wait_indirect_dma semaphore(%arg9 : memref<!tpu.dma_semaphore, #tpu.memory_space<semaphore_mem>>) src(%dma_wait3A_28 : memref<30522x768xf32, #tpu.memory_space<hbm>>) dst(%arg7 : memref<64x768xf32, #tpu.memory_space<vmem>>)
    %dma_wait3A_29 = arith.constant 0 : i32
    %dma_wait3A_30 = tpu.memref_slice %arg4[%add3A_19, %dma_wait3A_29] : memref<8192x768xf32, #tpu.memory_space<hbm>> -> memref<64x768xf32, #tpu.memory_space<hbm>>
    %dma_wait3A_31 = arith.constant 0 : i32
    %dma_wait3A_32 = tpu.memref_slice %arg4[%add3A_19, %dma_wait3A_31] : memref<8192x768xf32, #tpu.memory_space<hbm>> -> memref<64x768xf32, #tpu.memory_space<hbm>>
    tpu.wait_dma2 semaphore(%arg10 : memref<!tpu.dma_semaphore, #tpu.memory_space<semaphore_mem>>) src(%arg6 : memref<64x768xf32, #tpu.memory_space<vmem>>) dst(%dma_wait3A_32 : memref<64x768xf32, #tpu.memory_space<hbm>>)
    %dma_start3A_33 = arith.constant 128 : i32
    %dma_start3A_34 = tpu.memref_slice %arg5[%dma_start3A_33] : memref<256xi32, #tpu.memory_space<vmem>> -> memref<64xi32, #tpu.memory_space<vmem>>
    %dma_start3A_35 = arith.constant 0 : i32
    %dma_start3A_36 = arith.constant 0 : i32
    %dma_start3A_37 = tpu.memref_slice %arg2[%dma_start3A_35, %dma_start3A_36] : memref<30522x768xf32, #tpu.memory_space<hbm>> -> memref<30522x768xf32, #tpu.memory_space<hbm>>
    tpu.enqueue_indirect_dma source(%dma_start3A_37 : memref<30522x768xf32, #tpu.memory_space<hbm>>) target(%arg6 : memref<64x768xf32, #tpu.memory_space<vmem>>) offsets(%dma_start3A_34 : memref<64xi32, #tpu.memory_space<vmem>>) semaphore(%arg8 : memref<!tpu.dma_semaphore, #tpu.memory_space<semaphore_mem>>)
    %add3A_38 = arith.constant 64 : i32
    %add3A_39 = arith.addi %mul3A_2, %add3A_38 : i32
    %dma_start3A_40 = arith.constant 0 : i32
    %dma_start3A_41 = tpu.memref_slice %arg4[%add3A_39, %dma_start3A_40] : memref<8192x768xf32, #tpu.memory_space<hbm>> -> memref<64x768xf32, #tpu.memory_space<hbm>>
    %dma_start3A_42 = arith.constant 0 : i32
    %dma_start3A_43 = tpu.memref_slice %arg4[%add3A_39, %dma_start3A_42] : memref<8192x768xf32, #tpu.memory_space<hbm>> -> memref<64x768xf32, #tpu.memory_space<hbm>>
    tpu.enqueue_dma source(%arg7 : memref<64x768xf32, #tpu.memory_space<vmem>>) target(%dma_start3A_43 : memref<64x768xf32, #tpu.memory_space<hbm>>) target_semaphore(%arg11 : memref<!tpu.dma_semaphore, #tpu.memory_space<semaphore_mem>>)
    %dma_wait3A_44 = arith.constant 128 : i32
    %dma_wait3A_45 = tpu.memref_slice %arg5[%dma_wait3A_44] : memref<256xi32, #tpu.memory_space<vmem>> -> memref<64xi32, #tpu.memory_space<vmem>>
    %dma_wait3A_46 = arith.constant 0 : i32
    %dma_wait3A_47 = arith.constant 0 : i32
    %dma_wait3A_48 = tpu.memref_slice %arg2[%dma_wait3A_46, %dma_wait3A_47] : memref<30522x768xf32, #tpu.memory_space<hbm>> -> memref<30522x768xf32, #tpu.memory_space<hbm>>
    tpu.wait_indirect_dma semaphore(%arg8 : memref<!tpu.dma_semaphore, #tpu.memory_space<semaphore_mem>>) src(%dma_wait3A_48 : memref<30522x768xf32, #tpu.memory_space<hbm>>) dst(%arg6 : memref<64x768xf32, #tpu.memory_space<vmem>>)
    %dma_wait3A_49 = arith.constant 0 : i32
    %dma_wait3A_50 = tpu.memref_slice %arg4[%add3A_39, %dma_wait3A_49] : memref<8192x768xf32, #tpu.memory_space<hbm>> -> memref<64x768xf32, #tpu.memory_space<hbm>>
    %dma_wait3A_51 = arith.constant 0 : i32
    %dma_wait3A_52 = tpu.memref_slice %arg4[%add3A_39, %dma_wait3A_51] : memref<8192x768xf32, #tpu.memory_space<hbm>> -> memref<64x768xf32, #tpu.memory_space<hbm>>
    tpu.wait_dma2 semaphore(%arg11 : memref<!tpu.dma_semaphore, #tpu.memory_space<semaphore_mem>>) src(%arg7 : memref<64x768xf32, #tpu.memory_space<vmem>>) dst(%dma_wait3A_52 : memref<64x768xf32, #tpu.memory_space<hbm>>)
    %dma_start3A_53 = arith.constant 192 : i32
    %dma_start3A_54 = tpu.memref_slice %arg5[%dma_start3A_53] : memref<256xi32, #tpu.memory_space<vmem>> -> memref<64xi32, #tpu.memory_space<vmem>>
    %dma_start3A_55 = arith.constant 0 : i32
    %dma_start3A_56 = arith.constant 0 : i32
    %dma_start3A_57 = tpu.memref_slice %arg2[%dma_start3A_55, %dma_start3A_56] : memref<30522x768xf32, #tpu.memory_space<hbm>> -> memref<30522x768xf32, #tpu.memory_space<hbm>>
    tpu.enqueue_indirect_dma source(%dma_start3A_57 : memref<30522x768xf32, #tpu.memory_space<hbm>>) target(%arg7 : memref<64x768xf32, #tpu.memory_space<vmem>>) offsets(%dma_start3A_54 : memref<64xi32, #tpu.memory_space<vmem>>) semaphore(%arg9 : memref<!tpu.dma_semaphore, #tpu.memory_space<semaphore_mem>>)
    %add3A_58 = arith.constant 128 : i32
    %add3A_59 = arith.addi %mul3A_2, %add3A_58 : i32
    %dma_start3A_60 = arith.constant 0 : i32
    %dma_start3A_61 = tpu.memref_slice %arg4[%add3A_59, %dma_start3A_60] : memref<8192x768xf32, #tpu.memory_space<hbm>> -> memref<64x768xf32, #tpu.memory_space<hbm>>
    %dma_start3A_62 = arith.constant 0 : i32
    %dma_start3A_63 = tpu.memref_slice %arg4[%add3A_59, %dma_start3A_62] : memref<8192x768xf32, #tpu.memory_space<hbm>> -> memref<64x768xf32, #tpu.memory_space<hbm>>
    tpu.enqueue_dma source(%arg6 : memref<64x768xf32, #tpu.memory_space<vmem>>) target(%dma_start3A_63 : memref<64x768xf32, #tpu.memory_space<hbm>>) target_semaphore(%arg10 : memref<!tpu.dma_semaphore, #tpu.memory_space<semaphore_mem>>)
    %dma_wait3A_64 = arith.constant 192 : i32
    %dma_wait3A_65 = tpu.memref_slice %arg5[%dma_wait3A_64] : memref<256xi32, #tpu.memory_space<vmem>> -> memref<64xi32, #tpu.memory_space<vmem>>
    %dma_wait3A_66 = arith.constant 0 : i32
    %dma_wait3A_67 = arith.constant 0 : i32
    %dma_wait3A_68 = tpu.memref_slice %arg2[%dma_wait3A_66, %dma_wait3A_67] : memref<30522x768xf32, #tpu.memory_space<hbm>> -> memref<30522x768xf32, #tpu.memory_space<hbm>>
    tpu.wait_indirect_dma semaphore(%arg9 : memref<!tpu.dma_semaphore, #tpu.memory_space<semaphore_mem>>) src(%dma_wait3A_68 : memref<30522x768xf32, #tpu.memory_space<hbm>>) dst(%arg7 : memref<64x768xf32, #tpu.memory_space<vmem>>)
    %dma_wait3A_69 = arith.constant 0 : i32
    %dma_wait3A_70 = tpu.memref_slice %arg4[%add3A_59, %dma_wait3A_69] : memref<8192x768xf32, #tpu.memory_space<hbm>> -> memref<64x768xf32, #tpu.memory_space<hbm>>
    %dma_wait3A_71 = arith.constant 0 : i32
    %dma_wait3A_72 = tpu.memref_slice %arg4[%add3A_59, %dma_wait3A_71] : memref<8192x768xf32, #tpu.memory_space<hbm>> -> memref<64x768xf32, #tpu.memory_space<hbm>>
    tpu.wait_dma2 semaphore(%arg10 : memref<!tpu.dma_semaphore, #tpu.memory_space<semaphore_mem>>) src(%arg6 : memref<64x768xf32, #tpu.memory_space<vmem>>) dst(%dma_wait3A_72 : memref<64x768xf32, #tpu.memory_space<hbm>>)
    %add3A_73 = arith.constant 192 : i32
    %add3A_74 = arith.addi %mul3A_2, %add3A_73 : i32
    %dma_start3A_75 = arith.constant 0 : i32
    %dma_start3A_76 = tpu.memref_slice %arg4[%add3A_74, %dma_start3A_75] : memref<8192x768xf32, #tpu.memory_space<hbm>> -> memref<64x768xf32, #tpu.memory_space<hbm>>
    %dma_start3A_77 = arith.constant 0 : i32
    %dma_start3A_78 = tpu.memref_slice %arg4[%add3A_74, %dma_start3A_77] : memref<8192x768xf32, #tpu.memory_space<hbm>> -> memref<64x768xf32, #tpu.memory_space<hbm>>
    tpu.enqueue_dma source(%arg7 : memref<64x768xf32, #tpu.memory_space<vmem>>) target(%dma_start3A_78 : memref<64x768xf32, #tpu.memory_space<hbm>>) target_semaphore(%arg11 : memref<!tpu.dma_semaphore, #tpu.memory_space<semaphore_mem>>)
    %dma_wait3A_79 = arith.constant 0 : i32
    %dma_wait3A_80 = tpu.memref_slice %arg4[%add3A_74, %dma_wait3A_79] : memref<8192x768xf32, #tpu.memory_space<hbm>> -> memref<64x768xf32, #tpu.memory_space<hbm>>
    %dma_wait3A_81 = arith.constant 0 : i32
    %dma_wait3A_82 = tpu.memref_slice %arg4[%add3A_74, %dma_wait3A_81] : memref<8192x768xf32, #tpu.memory_space<hbm>> -> memref<64x768xf32, #tpu.memory_space<hbm>>
    tpu.wait_dma2 semaphore(%arg11 : memref<!tpu.dma_semaphore, #tpu.memory_space<semaphore_mem>>) src(%arg7 : memref<64x768xf32, #tpu.memory_space<vmem>>) dst(%dma_wait3A_82 : memref<64x768xf32, #tpu.memory_space<hbm>>)
    return
  }
}

module attributes {stable_mosaic.version = 14 : i64} {
  func.func @_ln_compute_aliased(%arg0: i32, %arg1: memref<32x512x768xf32, #tpu.memory_space<any>>, %arg2: memref<4x512x768xf32, #tpu.memory_space<vmem>>, %arg3: memref<4x1x512xi32, #tpu.memory_space<vmem>>, %arg4: memref<512x768xf32, #tpu.memory_space<vmem>>, %arg5: memref<2x768xf32, #tpu.memory_space<vmem>>, %arg6: memref<1x768xf32, #tpu.memory_space<vmem>>, %arg7: memref<1x768xf32, #tpu.memory_space<vmem>>, %arg8: memref<4x512x768xf32, #tpu.memory_space<vmem>>) attributes {dimension_semantics = [#tpu.dimension_semantics<arbitrary>], iteration_bounds = array<i64: 4>, scalar_prefetch = 0 : i64, scratch_operands = 0 : i64, tpu.core_type = #tpu.core_type<tc>, window_params = [{}, {transform_indices = @transform_1, window_bounds = array<i64: 4, 512, 768>}, {transform_indices = @transform_2, window_bounds = array<i64: 4, 1, 512>}, {pipeline_mode = #tpu.pipeline_mode<synchronous>, transform_indices = @transform_3, window_bounds = array<i64: 512, 768>}, {pipeline_mode = #tpu.pipeline_mode<synchronous>, transform_indices = @transform_4, window_bounds = array<i64: 2, 768>}, {pipeline_mode = #tpu.pipeline_mode<synchronous>, transform_indices = @transform_5, window_bounds = array<i64: 1, 768>}, {pipeline_mode = #tpu.pipeline_mode<synchronous>, transform_indices = @transform_6, window_bounds = array<i64: 1, 768>}, {transform_indices = @transform_7, window_bounds = array<i64: 4, 512, 768>}]} {
    %get3A = arith.constant 0 : index
    %get3A_0 = arith.constant 0 : index
    %get3A_1 = vector.load %arg4[%get3A, %get3A_0] : memref<512x768xf32, #tpu.memory_space<vmem>>, vector<512x768xf32>
    %get3A_2 = arith.constant 0 : index
    %get3A_3 = arith.constant 0 : index
    %get3A_4 = vector.load %arg5[%get3A_2, %get3A_3] : memref<2x768xf32, #tpu.memory_space<vmem>>, vector<1x768xf32>
    %add3A = vector.broadcast %get3A_4 : vector<1x768xf32> to vector<512x768xf32>
    %add3A_5 = arith.addf %get3A_1, %add3A : vector<512x768xf32>
    %get3A_6 = arith.constant 1 : index
    %get3A_7 = arith.constant 0 : index
    %get3A_8 = vector.load %arg5[%get3A_6, %get3A_7] : memref<2x768xf32, #tpu.memory_space<vmem>>, vector<1x768xf32>
    %get3A_9 = arith.constant 0 : index
    %get3A_10 = arith.constant 0 : index
    %get3A_11 = vector.load %arg5[%get3A_9, %get3A_10] : memref<2x768xf32, #tpu.memory_space<vmem>>, vector<1x768xf32>
    %sub3A = arith.subf %get3A_8, %get3A_11 : vector<1x768xf32>
    %get3A_12 = arith.constant 0 : index
    %get3A_13 = arith.constant 0 : index
    %get3A_14 = arith.constant 0 : index
    %get3A_15 = vector.load %arg3[%get3A_12, %get3A_13, %get3A_14] : memref<4x1x512xi32, #tpu.memory_space<vmem>>, vector<1x1x512xi32>
    %get3A_16 = vector.shape_cast %get3A_15 : vector<1x1x512xi32> to vector<1x512xi32>
    %transpose3A = tpu.transpose %get3A_16, [1, 0] : vector<1x512xi32> -> vector<512x1xi32>
    %convert_element_type3A = arith.sitofp %transpose3A : vector<512x1xi32> to vector<512x1xf32>
    %get3A_17 = arith.constant 0 : index
    %get3A_18 = arith.constant 0 : index
    %get3A_19 = arith.constant 0 : index
    %get3A_20 = vector.load %arg2[%get3A_17, %get3A_18, %get3A_19] : memref<4x512x768xf32, #tpu.memory_space<vmem>>, vector<1x512x768xf32>
    %get3A_21 = vector.shape_cast %get3A_20 : vector<1x512x768xf32> to vector<512x768xf32>
    %add3A_22 = arith.addf %get3A_21, %add3A_5 : vector<512x768xf32>
    %mul3A = vector.broadcast %convert_element_type3A : vector<512x1xf32> to vector<512x768xf32>
    %mul3A_23 = vector.broadcast %sub3A : vector<1x768xf32> to vector<512x768xf32>
    %mul3A_24 = arith.mulf %mul3A, %mul3A_23 : vector<512x768xf32>
    %add3A_25 = arith.addf %add3A_22, %mul3A_24 : vector<512x768xf32>
    %reduce_sum3A = arith.constant dense<0.000000e+00> : vector<512xf32>
    %reduce_sum3A_26 = vector.multi_reduction <add>, %add3A_25, %reduce_sum3A [1] : vector<512x768xf32> to vector<512xf32>
    %broadcast_in_dim3A = vector.shape_cast %reduce_sum3A_26 : vector<512xf32> to vector<512x1xf32>
    %div3A = arith.constant 7.680000e+02 : f32
    %div3A_27 = vector.broadcast %div3A : f32 to vector<512x1xf32>
    %div3A_28 = arith.divf %broadcast_in_dim3A, %div3A_27 : vector<512x1xf32>
    %sub3A_29 = vector.broadcast %div3A_28 : vector<512x1xf32> to vector<512x768xf32>
    %sub3A_30 = arith.subf %add3A_25, %sub3A_29 : vector<512x768xf32>
    %mul3A_31 = arith.mulf %sub3A_30, %sub3A_30 : vector<512x768xf32>
    %reduce_sum3A_32 = arith.constant dense<0.000000e+00> : vector<512xf32>
    %reduce_sum3A_33 = vector.multi_reduction <add>, %mul3A_31, %reduce_sum3A_32 [1] : vector<512x768xf32> to vector<512xf32>
    %broadcast_in_dim3A_34 = vector.shape_cast %reduce_sum3A_33 : vector<512xf32> to vector<512x1xf32>
    %div3A_35 = arith.constant 7.680000e+02 : f32
    %div3A_36 = vector.broadcast %div3A_35 : f32 to vector<512x1xf32>
    %div3A_37 = arith.divf %broadcast_in_dim3A_34, %div3A_36 : vector<512x1xf32>
    %add3A_38 = arith.constant 9.99999974E-6 : f32
    %add3A_39 = vector.broadcast %add3A_38 : f32 to vector<512x1xf32>
    %add3A_40 = arith.addf %div3A_37, %add3A_39 : vector<512x1xf32>
    %rsqrt3A = math.rsqrt %add3A_40 : vector<512x1xf32>
    %mul3A_41 = vector.broadcast %rsqrt3A : vector<512x1xf32> to vector<512x768xf32>
    %mul3A_42 = arith.mulf %sub3A_30, %mul3A_41 : vector<512x768xf32>
    %get3A_43 = arith.constant 0 : index
    %get3A_44 = arith.constant 0 : index
    %get3A_45 = vector.load %arg6[%get3A_43, %get3A_44] : memref<1x768xf32, #tpu.memory_space<vmem>>, vector<1x768xf32>
    %mul3A_46 = vector.broadcast %get3A_45 : vector<1x768xf32> to vector<512x768xf32>
    %mul3A_47 = arith.mulf %mul3A_42, %mul3A_46 : vector<512x768xf32>
    %get3A_48 = arith.constant 0 : index
    %get3A_49 = arith.constant 0 : index
    %get3A_50 = vector.load %arg7[%get3A_48, %get3A_49] : memref<1x768xf32, #tpu.memory_space<vmem>>, vector<1x768xf32>
    %add3A_51 = vector.broadcast %get3A_50 : vector<1x768xf32> to vector<512x768xf32>
    %add3A_52 = arith.addf %mul3A_47, %add3A_51 : vector<512x768xf32>
    %swap3A = arith.constant 0 : index
    %swap3A_53 = arith.constant 0 : index
    %swap3A_54 = arith.constant 0 : index
    %swap3A_55 = vector.load %arg8[%swap3A, %swap3A_53, %swap3A_54] : memref<4x512x768xf32, #tpu.memory_space<vmem>>, vector<1x512x768xf32>
    %swap3A_56 = vector.shape_cast %swap3A_55 : vector<1x512x768xf32> to vector<512x768xf32>
    %swap3A_57 = vector.shape_cast %add3A_52 : vector<512x768xf32> to vector<1x512x768xf32>
    tpu.vector_store %arg8[%swap3A, %swap3A_53, %swap3A_54], %swap3A_57 {strides = array<i32>} : memref<4x512x768xf32, #tpu.memory_space<vmem>>, vector<1x512x768xf32>,
    %get3A_58 = arith.constant 1 : index
    %get3A_59 = arith.constant 0 : index
    %get3A_60 = arith.constant 0 : index
    %get3A_61 = vector.load %arg3[%get3A_58, %get3A_59, %get3A_60] : memref<4x1x512xi32, #tpu.memory_space<vmem>>, vector<1x1x512xi32>
    %get3A_62 = vector.shape_cast %get3A_61 : vector<1x1x512xi32> to vector<1x512xi32>
    %transpose3A_63 = tpu.transpose %get3A_62, [1, 0] : vector<1x512xi32> -> vector<512x1xi32>
    %convert_element_type3A_64 = arith.sitofp %transpose3A_63 : vector<512x1xi32> to vector<512x1xf32>
    %get3A_65 = arith.constant 1 : index
    %get3A_66 = arith.constant 0 : index
    %get3A_67 = arith.constant 0 : index
    %get3A_68 = vector.load %arg2[%get3A_65, %get3A_66, %get3A_67] : memref<4x512x768xf32, #tpu.memory_space<vmem>>, vector<1x512x768xf32>
    %get3A_69 = vector.shape_cast %get3A_68 : vector<1x512x768xf32> to vector<512x768xf32>
    %add3A_70 = arith.addf %get3A_69, %add3A_5 : vector<512x768xf32>
    %mul3A_71 = vector.broadcast %convert_element_type3A_64 : vector<512x1xf32> to vector<512x768xf32>
    %mul3A_72 = vector.broadcast %sub3A : vector<1x768xf32> to vector<512x768xf32>
    %mul3A_73 = arith.mulf %mul3A_71, %mul3A_72 : vector<512x768xf32>
    %add3A_74 = arith.addf %add3A_70, %mul3A_73 : vector<512x768xf32>
    %reduce_sum3A_75 = arith.constant dense<0.000000e+00> : vector<512xf32>
    %reduce_sum3A_76 = vector.multi_reduction <add>, %add3A_74, %reduce_sum3A_75 [1] : vector<512x768xf32> to vector<512xf32>
    %broadcast_in_dim3A_77 = vector.shape_cast %reduce_sum3A_76 : vector<512xf32> to vector<512x1xf32>
    %div3A_78 = arith.constant 7.680000e+02 : f32
    %div3A_79 = vector.broadcast %div3A_78 : f32 to vector<512x1xf32>
    %div3A_80 = arith.divf %broadcast_in_dim3A_77, %div3A_79 : vector<512x1xf32>
    %sub3A_81 = vector.broadcast %div3A_80 : vector<512x1xf32> to vector<512x768xf32>
    %sub3A_82 = arith.subf %add3A_74, %sub3A_81 : vector<512x768xf32>
    %mul3A_83 = arith.mulf %sub3A_82, %sub3A_82 : vector<512x768xf32>
    %reduce_sum3A_84 = arith.constant dense<0.000000e+00> : vector<512xf32>
    %reduce_sum3A_85 = vector.multi_reduction <add>, %mul3A_83, %reduce_sum3A_84 [1] : vector<512x768xf32> to vector<512xf32>
    %broadcast_in_dim3A_86 = vector.shape_cast %reduce_sum3A_85 : vector<512xf32> to vector<512x1xf32>
    %div3A_87 = arith.constant 7.680000e+02 : f32
    %div3A_88 = vector.broadcast %div3A_87 : f32 to vector<512x1xf32>
    %div3A_89 = arith.divf %broadcast_in_dim3A_86, %div3A_88 : vector<512x1xf32>
    %add3A_90 = arith.constant 9.99999974E-6 : f32
    %add3A_91 = vector.broadcast %add3A_90 : f32 to vector<512x1xf32>
    %add3A_92 = arith.addf %div3A_89, %add3A_91 : vector<512x1xf32>
    %rsqrt3A_93 = math.rsqrt %add3A_92 : vector<512x1xf32>
    %mul3A_94 = vector.broadcast %rsqrt3A_93 : vector<512x1xf32> to vector<512x768xf32>
    %mul3A_95 = arith.mulf %sub3A_82, %mul3A_94 : vector<512x768xf32>
    %get3A_96 = arith.constant 0 : index
    %get3A_97 = arith.constant 0 : index
    %get3A_98 = vector.load %arg6[%get3A_96, %get3A_97] : memref<1x768xf32, #tpu.memory_space<vmem>>, vector<1x768xf32>
    %mul3A_99 = vector.broadcast %get3A_98 : vector<1x768xf32> to vector<512x768xf32>
    %mul3A_100 = arith.mulf %mul3A_95, %mul3A_99 : vector<512x768xf32>
    %get3A_101 = arith.constant 0 : index
    %get3A_102 = arith.constant 0 : index
    %get3A_103 = vector.load %arg7[%get3A_101, %get3A_102] : memref<1x768xf32, #tpu.memory_space<vmem>>, vector<1x768xf32>
    %add3A_104 = vector.broadcast %get3A_103 : vector<1x768xf32> to vector<512x768xf32>
    %add3A_105 = arith.addf %mul3A_100, %add3A_104 : vector<512x768xf32>
    %swap3A_106 = arith.constant 1 : index
    %swap3A_107 = arith.constant 0 : index
    %swap3A_108 = arith.constant 0 : index
    %swap3A_109 = vector.load %arg8[%swap3A_106, %swap3A_107, %swap3A_108] : memref<4x512x768xf32, #tpu.memory_space<vmem>>, vector<1x512x768xf32>
    %swap3A_110 = vector.shape_cast %swap3A_109 : vector<1x512x768xf32> to vector<512x768xf32>
    %swap3A_111 = vector.shape_cast %add3A_105 : vector<512x768xf32> to vector<1x512x768xf32>
    tpu.vector_store %arg8[%swap3A_106, %swap3A_107, %swap3A_108], %swap3A_111 {strides = array<i32>} : memref<4x512x768xf32, #tpu.memory_space<vmem>>, vector<1x512x768xf32>,
    %get3A_112 = arith.constant 2 : index
    %get3A_113 = arith.constant 0 : index
    %get3A_114 = arith.constant 0 : index
    %get3A_115 = vector.load %arg3[%get3A_112, %get3A_113, %get3A_114] : memref<4x1x512xi32, #tpu.memory_space<vmem>>, vector<1x1x512xi32>
    %get3A_116 = vector.shape_cast %get3A_115 : vector<1x1x512xi32> to vector<1x512xi32>
    %transpose3A_117 = tpu.transpose %get3A_116, [1, 0] : vector<1x512xi32> -> vector<512x1xi32>
    %convert_element_type3A_118 = arith.sitofp %transpose3A_117 : vector<512x1xi32> to vector<512x1xf32>
    %get3A_119 = arith.constant 2 : index
    %get3A_120 = arith.constant 0 : index
    %get3A_121 = arith.constant 0 : index
    %get3A_122 = vector.load %arg2[%get3A_119, %get3A_120, %get3A_121] : memref<4x512x768xf32, #tpu.memory_space<vmem>>, vector<1x512x768xf32>
    %get3A_123 = vector.shape_cast %get3A_122 : vector<1x512x768xf32> to vector<512x768xf32>
    %add3A_124 = arith.addf %get3A_123, %add3A_5 : vector<512x768xf32>
    %mul3A_125 = vector.broadcast %convert_element_type3A_118 : vector<512x1xf32> to vector<512x768xf32>
    %mul3A_126 = vector.broadcast %sub3A : vector<1x768xf32> to vector<512x768xf32>
    %mul3A_127 = arith.mulf %mul3A_125, %mul3A_126 : vector<512x768xf32>
    %add3A_128 = arith.addf %add3A_124, %mul3A_127 : vector<512x768xf32>
    %reduce_sum3A_129 = arith.constant dense<0.000000e+00> : vector<512xf32>
    %reduce_sum3A_130 = vector.multi_reduction <add>, %add3A_128, %reduce_sum3A_129 [1] : vector<512x768xf32> to vector<512xf32>
    %broadcast_in_dim3A_131 = vector.shape_cast %reduce_sum3A_130 : vector<512xf32> to vector<512x1xf32>
    %div3A_132 = arith.constant 7.680000e+02 : f32
    %div3A_133 = vector.broadcast %div3A_132 : f32 to vector<512x1xf32>
    %div3A_134 = arith.divf %broadcast_in_dim3A_131, %div3A_133 : vector<512x1xf32>
    %sub3A_135 = vector.broadcast %div3A_134 : vector<512x1xf32> to vector<512x768xf32>
    %sub3A_136 = arith.subf %add3A_128, %sub3A_135 : vector<512x768xf32>
    %mul3A_137 = arith.mulf %sub3A_136, %sub3A_136 : vector<512x768xf32>
    %reduce_sum3A_138 = arith.constant dense<0.000000e+00> : vector<512xf32>
    %reduce_sum3A_139 = vector.multi_reduction <add>, %mul3A_137, %reduce_sum3A_138 [1] : vector<512x768xf32> to vector<512xf32>
    %broadcast_in_dim3A_140 = vector.shape_cast %reduce_sum3A_139 : vector<512xf32> to vector<512x1xf32>
    %div3A_141 = arith.constant 7.680000e+02 : f32
    %div3A_142 = vector.broadcast %div3A_141 : f32 to vector<512x1xf32>
    %div3A_143 = arith.divf %broadcast_in_dim3A_140, %div3A_142 : vector<512x1xf32>
    %add3A_144 = arith.constant 9.99999974E-6 : f32
    %add3A_145 = vector.broadcast %add3A_144 : f32 to vector<512x1xf32>
    %add3A_146 = arith.addf %div3A_143, %add3A_145 : vector<512x1xf32>
    %rsqrt3A_147 = math.rsqrt %add3A_146 : vector<512x1xf32>
    %mul3A_148 = vector.broadcast %rsqrt3A_147 : vector<512x1xf32> to vector<512x768xf32>
    %mul3A_149 = arith.mulf %sub3A_136, %mul3A_148 : vector<512x768xf32>
    %get3A_150 = arith.constant 0 : index
    %get3A_151 = arith.constant 0 : index
    %get3A_152 = vector.load %arg6[%get3A_150, %get3A_151] : memref<1x768xf32, #tpu.memory_space<vmem>>, vector<1x768xf32>
    %mul3A_153 = vector.broadcast %get3A_152 : vector<1x768xf32> to vector<512x768xf32>
    %mul3A_154 = arith.mulf %mul3A_149, %mul3A_153 : vector<512x768xf32>
    %get3A_155 = arith.constant 0 : index
    %get3A_156 = arith.constant 0 : index
    %get3A_157 = vector.load %arg7[%get3A_155, %get3A_156] : memref<1x768xf32, #tpu.memory_space<vmem>>, vector<1x768xf32>
    %add3A_158 = vector.broadcast %get3A_157 : vector<1x768xf32> to vector<512x768xf32>
    %add3A_159 = arith.addf %mul3A_154, %add3A_158 : vector<512x768xf32>
    %swap3A_160 = arith.constant 2 : index
    %swap3A_161 = arith.constant 0 : index
    %swap3A_162 = arith.constant 0 : index
    %swap3A_163 = vector.load %arg8[%swap3A_160, %swap3A_161, %swap3A_162] : memref<4x512x768xf32, #tpu.memory_space<vmem>>, vector<1x512x768xf32>
    %swap3A_164 = vector.shape_cast %swap3A_163 : vector<1x512x768xf32> to vector<512x768xf32>
    %swap3A_165 = vector.shape_cast %add3A_159 : vector<512x768xf32> to vector<1x512x768xf32>
    tpu.vector_store %arg8[%swap3A_160, %swap3A_161, %swap3A_162], %swap3A_165 {strides = array<i32>} : memref<4x512x768xf32, #tpu.memory_space<vmem>>, vector<1x512x768xf32>,
    %get3A_166 = arith.constant 3 : index
    %get3A_167 = arith.constant 0 : index
    %get3A_168 = arith.constant 0 : index
    %get3A_169 = vector.load %arg3[%get3A_166, %get3A_167, %get3A_168] : memref<4x1x512xi32, #tpu.memory_space<vmem>>, vector<1x1x512xi32>
    %get3A_170 = vector.shape_cast %get3A_169 : vector<1x1x512xi32> to vector<1x512xi32>
    %transpose3A_171 = tpu.transpose %get3A_170, [1, 0] : vector<1x512xi32> -> vector<512x1xi32>
    %convert_element_type3A_172 = arith.sitofp %transpose3A_171 : vector<512x1xi32> to vector<512x1xf32>
    %get3A_173 = arith.constant 3 : index
    %get3A_174 = arith.constant 0 : index
    %get3A_175 = arith.constant 0 : index
    %get3A_176 = vector.load %arg2[%get3A_173, %get3A_174, %get3A_175] : memref<4x512x768xf32, #tpu.memory_space<vmem>>, vector<1x512x768xf32>
    %get3A_177 = vector.shape_cast %get3A_176 : vector<1x512x768xf32> to vector<512x768xf32>
    %add3A_178 = arith.addf %get3A_177, %add3A_5 : vector<512x768xf32>
    %mul3A_179 = vector.broadcast %convert_element_type3A_172 : vector<512x1xf32> to vector<512x768xf32>
    %mul3A_180 = vector.broadcast %sub3A : vector<1x768xf32> to vector<512x768xf32>
    %mul3A_181 = arith.mulf %mul3A_179, %mul3A_180 : vector<512x768xf32>
    %add3A_182 = arith.addf %add3A_178, %mul3A_181 : vector<512x768xf32>
    %reduce_sum3A_183 = arith.constant dense<0.000000e+00> : vector<512xf32>
    %reduce_sum3A_184 = vector.multi_reduction <add>, %add3A_182, %reduce_sum3A_183 [1] : vector<512x768xf32> to vector<512xf32>
    %broadcast_in_dim3A_185 = vector.shape_cast %reduce_sum3A_184 : vector<512xf32> to vector<512x1xf32>
    %div3A_186 = arith.constant 7.680000e+02 : f32
    %div3A_187 = vector.broadcast %div3A_186 : f32 to vector<512x1xf32>
    %div3A_188 = arith.divf %broadcast_in_dim3A_185, %div3A_187 : vector<512x1xf32>
    %sub3A_189 = vector.broadcast %div3A_188 : vector<512x1xf32> to vector<512x768xf32>
    %sub3A_190 = arith.subf %add3A_182, %sub3A_189 : vector<512x768xf32>
    %mul3A_191 = arith.mulf %sub3A_190, %sub3A_190 : vector<512x768xf32>
    %reduce_sum3A_192 = arith.constant dense<0.000000e+00> : vector<512xf32>
    %reduce_sum3A_193 = vector.multi_reduction <add>, %mul3A_191, %reduce_sum3A_192 [1] : vector<512x768xf32> to vector<512xf32>
    %broadcast_in_dim3A_194 = vector.shape_cast %reduce_sum3A_193 : vector<512xf32> to vector<512x1xf32>
    %div3A_195 = arith.constant 7.680000e+02 : f32
    %div3A_196 = vector.broadcast %div3A_195 : f32 to vector<512x1xf32>
    %div3A_197 = arith.divf %broadcast_in_dim3A_194, %div3A_196 : vector<512x1xf32>
    %add3A_198 = arith.constant 9.99999974E-6 : f32
    %add3A_199 = vector.broadcast %add3A_198 : f32 to vector<512x1xf32>
    %add3A_200 = arith.addf %div3A_197, %add3A_199 : vector<512x1xf32>
    %rsqrt3A_201 = math.rsqrt %add3A_200 : vector<512x1xf32>
    %mul3A_202 = vector.broadcast %rsqrt3A_201 : vector<512x1xf32> to vector<512x768xf32>
    %mul3A_203 = arith.mulf %sub3A_190, %mul3A_202 : vector<512x768xf32>
    %get3A_204 = arith.constant 0 : index
    %get3A_205 = arith.constant 0 : index
    %get3A_206 = vector.load %arg6[%get3A_204, %get3A_205] : memref<1x768xf32, #tpu.memory_space<vmem>>, vector<1x768xf32>
    %mul3A_207 = vector.broadcast %get3A_206 : vector<1x768xf32> to vector<512x768xf32>
    %mul3A_208 = arith.mulf %mul3A_203, %mul3A_207 : vector<512x768xf32>
    %get3A_209 = arith.constant 0 : index
    %get3A_210 = arith.constant 0 : index
    %get3A_211 = vector.load %arg7[%get3A_209, %get3A_210] : memref<1x768xf32, #tpu.memory_space<vmem>>, vector<1x768xf32>
    %add3A_212 = vector.broadcast %get3A_211 : vector<1x768xf32> to vector<512x768xf32>
    %add3A_213 = arith.addf %mul3A_208, %add3A_212 : vector<512x768xf32>
    %swap3A_214 = arith.constant 3 : index
    %swap3A_215 = arith.constant 0 : index
    %swap3A_216 = arith.constant 0 : index
    %swap3A_217 = vector.load %arg8[%swap3A_214, %swap3A_215, %swap3A_216] : memref<4x512x768xf32, #tpu.memory_space<vmem>>, vector<1x512x768xf32>
    %swap3A_218 = vector.shape_cast %swap3A_217 : vector<1x512x768xf32> to vector<512x768xf32>
    %swap3A_219 = vector.shape_cast %add3A_213 : vector<512x768xf32> to vector<1x512x768xf32>
    tpu.vector_store %arg8[%swap3A_214, %swap3A_215, %swap3A_216], %swap3A_219 {strides = array<i32>} : memref<4x512x768xf32, #tpu.memory_space<vmem>>, vector<1x512x768xf32>,
    return
  }
  func.func @transform_1(%arg0: i32) -> (i32, i32, i32) {
    %c0_i32 = arith.constant 0 : i32
    %c0_i32_0 = arith.constant 0 : i32
    %c0_i32_1 = arith.constant 0 : i32
    return %arg0, %c0_i32, %c0_i32_0 : i32, i32, i32
  }
  func.func @transform_2(%arg0: i32) -> (i32, i32, i32) {
    %add3A = arith.constant 4 : i32
    %add3A_0 = arith.addi %arg0, %add3A : i32
    %c0_i32 = arith.constant 0 : i32
    %c0_i32_1 = arith.constant 0 : i32
    %c0_i32_2 = arith.constant 0 : i32
    return %add3A_0, %c0_i32, %c0_i32_1 : i32, i32, i32
  }
  func.func @transform_3(%arg0: i32) -> (i32, i32) {
    %c0_i32 = arith.constant 0 : i32
    %c0_i32_0 = arith.constant 0 : i32
    %c0_i32_1 = arith.constant 0 : i32
    return %c0_i32, %c0_i32_0 : i32, i32
  }
  func.func @transform_4(%arg0: i32) -> (i32, i32) {
    %c0_i32 = arith.constant 0 : i32
    %c0_i32_0 = arith.constant 0 : i32
    %c0_i32_1 = arith.constant 0 : i32
    return %c0_i32, %c0_i32_0 : i32, i32
  }
  func.func @transform_5(%arg0: i32) -> (i32, i32) {
    %c0_i32 = arith.constant 0 : i32
    %c0_i32_0 = arith.constant 0 : i32
    %c0_i32_1 = arith.constant 0 : i32
    return %c0_i32, %c0_i32_0 : i32, i32
  }
  func.func @transform_6(%arg0: i32) -> (i32, i32) {
    %c0_i32 = arith.constant 0 : i32
    %c0_i32_0 = arith.constant 0 : i32
    %c0_i32_1 = arith.constant 0 : i32
    return %c0_i32, %c0_i32_0 : i32, i32
  }
  func.func @transform_7(%arg0: i32) -> (i32, i32, i32) {
    %add3A = arith.constant 4 : i32
    %add3A_0 = arith.addi %arg0, %add3A : i32
    %c0_i32 = arith.constant 0 : i32
    %c0_i32_1 = arith.constant 0 : i32
    %c0_i32_2 = arith.constant 0 : i32
    return %add3A_0, %c0_i32, %c0_i32_1 : i32, i32, i32
  }
}

module attributes {stable_mosaic.version = 14 : i64} {
  func.func @_ln_compute(%arg0: i32, %arg1: memref<4x512x768xf32, #tpu.memory_space<vmem>>, %arg2: memref<4x1x512xi32, #tpu.memory_space<vmem>>, %arg3: memref<512x768xf32, #tpu.memory_space<vmem>>, %arg4: memref<2x768xf32, #tpu.memory_space<vmem>>, %arg5: memref<1x768xf32, #tpu.memory_space<vmem>>, %arg6: memref<1x768xf32, #tpu.memory_space<vmem>>, %arg7: memref<4x512x768xf32, #tpu.memory_space<vmem>>) attributes {dimension_semantics = [#tpu.dimension_semantics<arbitrary>], iteration_bounds = array<i64: 4>, scalar_prefetch = 0 : i64, scratch_operands = 0 : i64, tpu.core_type = #tpu.core_type<tc>, window_params = [{transform_indices = @transform_0, window_bounds = array<i64: 4, 512, 768>}, {transform_indices = @transform_1, window_bounds = array<i64: 4, 1, 512>}, {pipeline_mode = #tpu.pipeline_mode<synchronous>, transform_indices = @transform_2, window_bounds = array<i64: 512, 768>}, {pipeline_mode = #tpu.pipeline_mode<synchronous>, transform_indices = @transform_3, window_bounds = array<i64: 2, 768>}, {pipeline_mode = #tpu.pipeline_mode<synchronous>, transform_indices = @transform_4, window_bounds = array<i64: 1, 768>}, {pipeline_mode = #tpu.pipeline_mode<synchronous>, transform_indices = @transform_5, window_bounds = array<i64: 1, 768>}, {transform_indices = @transform_6, window_bounds = array<i64: 4, 512, 768>}]} {
    %get3A = arith.constant 0 : index
    %get3A_0 = arith.constant 0 : index
    %get3A_1 = vector.load %arg3[%get3A, %get3A_0] : memref<512x768xf32, #tpu.memory_space<vmem>>, vector<512x768xf32>
    %get3A_2 = arith.constant 0 : index
    %get3A_3 = arith.constant 0 : index
    %get3A_4 = vector.load %arg4[%get3A_2, %get3A_3] : memref<2x768xf32, #tpu.memory_space<vmem>>, vector<1x768xf32>
    %add3A = vector.broadcast %get3A_4 : vector<1x768xf32> to vector<512x768xf32>
    %add3A_5 = arith.addf %get3A_1, %add3A : vector<512x768xf32>
    %get3A_6 = arith.constant 1 : index
    %get3A_7 = arith.constant 0 : index
    %get3A_8 = vector.load %arg4[%get3A_6, %get3A_7] : memref<2x768xf32, #tpu.memory_space<vmem>>, vector<1x768xf32>
    %get3A_9 = arith.constant 0 : index
    %get3A_10 = arith.constant 0 : index
    %get3A_11 = vector.load %arg4[%get3A_9, %get3A_10] : memref<2x768xf32, #tpu.memory_space<vmem>>, vector<1x768xf32>
    %sub3A = arith.subf %get3A_8, %get3A_11 : vector<1x768xf32>
    %get3A_12 = arith.constant 0 : index
    %get3A_13 = arith.constant 0 : index
    %get3A_14 = arith.constant 0 : index
    %get3A_15 = vector.load %arg2[%get3A_12, %get3A_13, %get3A_14] : memref<4x1x512xi32, #tpu.memory_space<vmem>>, vector<1x1x512xi32>
    %get3A_16 = vector.shape_cast %get3A_15 : vector<1x1x512xi32> to vector<1x512xi32>
    %transpose3A = tpu.transpose %get3A_16, [1, 0] : vector<1x512xi32> -> vector<512x1xi32>
    %convert_element_type3A = arith.sitofp %transpose3A : vector<512x1xi32> to vector<512x1xf32>
    %get3A_17 = arith.constant 0 : index
    %get3A_18 = arith.constant 0 : index
    %get3A_19 = arith.constant 0 : index
    %get3A_20 = vector.load %arg1[%get3A_17, %get3A_18, %get3A_19] : memref<4x512x768xf32, #tpu.memory_space<vmem>>, vector<1x512x768xf32>
    %get3A_21 = vector.shape_cast %get3A_20 : vector<1x512x768xf32> to vector<512x768xf32>
    %add3A_22 = arith.addf %get3A_21, %add3A_5 : vector<512x768xf32>
    %mul3A = vector.broadcast %convert_element_type3A : vector<512x1xf32> to vector<512x768xf32>
    %mul3A_23 = vector.broadcast %sub3A : vector<1x768xf32> to vector<512x768xf32>
    %mul3A_24 = arith.mulf %mul3A, %mul3A_23 : vector<512x768xf32>
    %add3A_25 = arith.addf %add3A_22, %mul3A_24 : vector<512x768xf32>
    %reduce_sum3A = arith.constant dense<0.000000e+00> : vector<512xf32>
    %reduce_sum3A_26 = vector.multi_reduction <add>, %add3A_25, %reduce_sum3A [1] : vector<512x768xf32> to vector<512xf32>
    %broadcast_in_dim3A = vector.shape_cast %reduce_sum3A_26 : vector<512xf32> to vector<512x1xf32>
    %div3A = arith.constant 7.680000e+02 : f32
    %div3A_27 = vector.broadcast %div3A : f32 to vector<512x1xf32>
    %div3A_28 = arith.divf %broadcast_in_dim3A, %div3A_27 : vector<512x1xf32>
    %sub3A_29 = vector.broadcast %div3A_28 : vector<512x1xf32> to vector<512x768xf32>
    %sub3A_30 = arith.subf %add3A_25, %sub3A_29 : vector<512x768xf32>
    %mul3A_31 = arith.mulf %sub3A_30, %sub3A_30 : vector<512x768xf32>
    %reduce_sum3A_32 = arith.constant dense<0.000000e+00> : vector<512xf32>
    %reduce_sum3A_33 = vector.multi_reduction <add>, %mul3A_31, %reduce_sum3A_32 [1] : vector<512x768xf32> to vector<512xf32>
    %broadcast_in_dim3A_34 = vector.shape_cast %reduce_sum3A_33 : vector<512xf32> to vector<512x1xf32>
    %div3A_35 = arith.constant 7.680000e+02 : f32
    %div3A_36 = vector.broadcast %div3A_35 : f32 to vector<512x1xf32>
    %div3A_37 = arith.divf %broadcast_in_dim3A_34, %div3A_36 : vector<512x1xf32>
    %add3A_38 = arith.constant 9.99999974E-6 : f32
    %add3A_39 = vector.broadcast %add3A_38 : f32 to vector<512x1xf32>
    %add3A_40 = arith.addf %div3A_37, %add3A_39 : vector<512x1xf32>
    %rsqrt3A = math.rsqrt %add3A_40 : vector<512x1xf32>
    %mul3A_41 = vector.broadcast %rsqrt3A : vector<512x1xf32> to vector<512x768xf32>
    %mul3A_42 = arith.mulf %sub3A_30, %mul3A_41 : vector<512x768xf32>
    %get3A_43 = arith.constant 0 : index
    %get3A_44 = arith.constant 0 : index
    %get3A_45 = vector.load %arg5[%get3A_43, %get3A_44] : memref<1x768xf32, #tpu.memory_space<vmem>>, vector<1x768xf32>
    %mul3A_46 = vector.broadcast %get3A_45 : vector<1x768xf32> to vector<512x768xf32>
    %mul3A_47 = arith.mulf %mul3A_42, %mul3A_46 : vector<512x768xf32>
    %get3A_48 = arith.constant 0 : index
    %get3A_49 = arith.constant 0 : index
    %get3A_50 = vector.load %arg6[%get3A_48, %get3A_49] : memref<1x768xf32, #tpu.memory_space<vmem>>, vector<1x768xf32>
    %add3A_51 = vector.broadcast %get3A_50 : vector<1x768xf32> to vector<512x768xf32>
    %add3A_52 = arith.addf %mul3A_47, %add3A_51 : vector<512x768xf32>
    %swap3A = arith.constant 0 : index
    %swap3A_53 = arith.constant 0 : index
    %swap3A_54 = arith.constant 0 : index
    %swap3A_55 = vector.load %arg7[%swap3A, %swap3A_53, %swap3A_54] : memref<4x512x768xf32, #tpu.memory_space<vmem>>, vector<1x512x768xf32>
    %swap3A_56 = vector.shape_cast %swap3A_55 : vector<1x512x768xf32> to vector<512x768xf32>
    %swap3A_57 = vector.shape_cast %add3A_52 : vector<512x768xf32> to vector<1x512x768xf32>
    tpu.vector_store %arg7[%swap3A, %swap3A_53, %swap3A_54], %swap3A_57 {strides = array<i32>} : memref<4x512x768xf32, #tpu.memory_space<vmem>>, vector<1x512x768xf32>,
    %get3A_58 = arith.constant 1 : index
    %get3A_59 = arith.constant 0 : index
    %get3A_60 = arith.constant 0 : index
    %get3A_61 = vector.load %arg2[%get3A_58, %get3A_59, %get3A_60] : memref<4x1x512xi32, #tpu.memory_space<vmem>>, vector<1x1x512xi32>
    %get3A_62 = vector.shape_cast %get3A_61 : vector<1x1x512xi32> to vector<1x512xi32>
    %transpose3A_63 = tpu.transpose %get3A_62, [1, 0] : vector<1x512xi32> -> vector<512x1xi32>
    %convert_element_type3A_64 = arith.sitofp %transpose3A_63 : vector<512x1xi32> to vector<512x1xf32>
    %get3A_65 = arith.constant 1 : index
    %get3A_66 = arith.constant 0 : index
    %get3A_67 = arith.constant 0 : index
    %get3A_68 = vector.load %arg1[%get3A_65, %get3A_66, %get3A_67] : memref<4x512x768xf32, #tpu.memory_space<vmem>>, vector<1x512x768xf32>
    %get3A_69 = vector.shape_cast %get3A_68 : vector<1x512x768xf32> to vector<512x768xf32>
    %add3A_70 = arith.addf %get3A_69, %add3A_5 : vector<512x768xf32>
    %mul3A_71 = vector.broadcast %convert_element_type3A_64 : vector<512x1xf32> to vector<512x768xf32>
    %mul3A_72 = vector.broadcast %sub3A : vector<1x768xf32> to vector<512x768xf32>
    %mul3A_73 = arith.mulf %mul3A_71, %mul3A_72 : vector<512x768xf32>
    %add3A_74 = arith.addf %add3A_70, %mul3A_73 : vector<512x768xf32>
    %reduce_sum3A_75 = arith.constant dense<0.000000e+00> : vector<512xf32>
    %reduce_sum3A_76 = vector.multi_reduction <add>, %add3A_74, %reduce_sum3A_75 [1] : vector<512x768xf32> to vector<512xf32>
    %broadcast_in_dim3A_77 = vector.shape_cast %reduce_sum3A_76 : vector<512xf32> to vector<512x1xf32>
    %div3A_78 = arith.constant 7.680000e+02 : f32
    %div3A_79 = vector.broadcast %div3A_78 : f32 to vector<512x1xf32>
    %div3A_80 = arith.divf %broadcast_in_dim3A_77, %div3A_79 : vector<512x1xf32>
    %sub3A_81 = vector.broadcast %div3A_80 : vector<512x1xf32> to vector<512x768xf32>
    %sub3A_82 = arith.subf %add3A_74, %sub3A_81 : vector<512x768xf32>
    %mul3A_83 = arith.mulf %sub3A_82, %sub3A_82 : vector<512x768xf32>
    %reduce_sum3A_84 = arith.constant dense<0.000000e+00> : vector<512xf32>
    %reduce_sum3A_85 = vector.multi_reduction <add>, %mul3A_83, %reduce_sum3A_84 [1] : vector<512x768xf32> to vector<512xf32>
    %broadcast_in_dim3A_86 = vector.shape_cast %reduce_sum3A_85 : vector<512xf32> to vector<512x1xf32>
    %div3A_87 = arith.constant 7.680000e+02 : f32
    %div3A_88 = vector.broadcast %div3A_87 : f32 to vector<512x1xf32>
    %div3A_89 = arith.divf %broadcast_in_dim3A_86, %div3A_88 : vector<512x1xf32>
    %add3A_90 = arith.constant 9.99999974E-6 : f32
    %add3A_91 = vector.broadcast %add3A_90 : f32 to vector<512x1xf32>
    %add3A_92 = arith.addf %div3A_89, %add3A_91 : vector<512x1xf32>
    %rsqrt3A_93 = math.rsqrt %add3A_92 : vector<512x1xf32>
    %mul3A_94 = vector.broadcast %rsqrt3A_93 : vector<512x1xf32> to vector<512x768xf32>
    %mul3A_95 = arith.mulf %sub3A_82, %mul3A_94 : vector<512x768xf32>
    %get3A_96 = arith.constant 0 : index
    %get3A_97 = arith.constant 0 : index
    %get3A_98 = vector.load %arg5[%get3A_96, %get3A_97] : memref<1x768xf32, #tpu.memory_space<vmem>>, vector<1x768xf32>
    %mul3A_99 = vector.broadcast %get3A_98 : vector<1x768xf32> to vector<512x768xf32>
    %mul3A_100 = arith.mulf %mul3A_95, %mul3A_99 : vector<512x768xf32>
    %get3A_101 = arith.constant 0 : index
    %get3A_102 = arith.constant 0 : index
    %get3A_103 = vector.load %arg6[%get3A_101, %get3A_102] : memref<1x768xf32, #tpu.memory_space<vmem>>, vector<1x768xf32>
    %add3A_104 = vector.broadcast %get3A_103 : vector<1x768xf32> to vector<512x768xf32>
    %add3A_105 = arith.addf %mul3A_100, %add3A_104 : vector<512x768xf32>
    %swap3A_106 = arith.constant 1 : index
    %swap3A_107 = arith.constant 0 : index
    %swap3A_108 = arith.constant 0 : index
    %swap3A_109 = vector.load %arg7[%swap3A_106, %swap3A_107, %swap3A_108] : memref<4x512x768xf32, #tpu.memory_space<vmem>>, vector<1x512x768xf32>
    %swap3A_110 = vector.shape_cast %swap3A_109 : vector<1x512x768xf32> to vector<512x768xf32>
    %swap3A_111 = vector.shape_cast %add3A_105 : vector<512x768xf32> to vector<1x512x768xf32>
    tpu.vector_store %arg7[%swap3A_106, %swap3A_107, %swap3A_108], %swap3A_111 {strides = array<i32>} : memref<4x512x768xf32, #tpu.memory_space<vmem>>, vector<1x512x768xf32>,
    %get3A_112 = arith.constant 2 : index
    %get3A_113 = arith.constant 0 : index
    %get3A_114 = arith.constant 0 : index
    %get3A_115 = vector.load %arg2[%get3A_112, %get3A_113, %get3A_114] : memref<4x1x512xi32, #tpu.memory_space<vmem>>, vector<1x1x512xi32>
    %get3A_116 = vector.shape_cast %get3A_115 : vector<1x1x512xi32> to vector<1x512xi32>
    %transpose3A_117 = tpu.transpose %get3A_116, [1, 0] : vector<1x512xi32> -> vector<512x1xi32>
    %convert_element_type3A_118 = arith.sitofp %transpose3A_117 : vector<512x1xi32> to vector<512x1xf32>
    %get3A_119 = arith.constant 2 : index
    %get3A_120 = arith.constant 0 : index
    %get3A_121 = arith.constant 0 : index
    %get3A_122 = vector.load %arg1[%get3A_119, %get3A_120, %get3A_121] : memref<4x512x768xf32, #tpu.memory_space<vmem>>, vector<1x512x768xf32>
    %get3A_123 = vector.shape_cast %get3A_122 : vector<1x512x768xf32> to vector<512x768xf32>
    %add3A_124 = arith.addf %get3A_123, %add3A_5 : vector<512x768xf32>
    %mul3A_125 = vector.broadcast %convert_element_type3A_118 : vector<512x1xf32> to vector<512x768xf32>
    %mul3A_126 = vector.broadcast %sub3A : vector<1x768xf32> to vector<512x768xf32>
    %mul3A_127 = arith.mulf %mul3A_125, %mul3A_126 : vector<512x768xf32>
    %add3A_128 = arith.addf %add3A_124, %mul3A_127 : vector<512x768xf32>
    %reduce_sum3A_129 = arith.constant dense<0.000000e+00> : vector<512xf32>
    %reduce_sum3A_130 = vector.multi_reduction <add>, %add3A_128, %reduce_sum3A_129 [1] : vector<512x768xf32> to vector<512xf32>
    %broadcast_in_dim3A_131 = vector.shape_cast %reduce_sum3A_130 : vector<512xf32> to vector<512x1xf32>
    %div3A_132 = arith.constant 7.680000e+02 : f32
    %div3A_133 = vector.broadcast %div3A_132 : f32 to vector<512x1xf32>
    %div3A_134 = arith.divf %broadcast_in_dim3A_131, %div3A_133 : vector<512x1xf32>
    %sub3A_135 = vector.broadcast %div3A_134 : vector<512x1xf32> to vector<512x768xf32>
    %sub3A_136 = arith.subf %add3A_128, %sub3A_135 : vector<512x768xf32>
    %mul3A_137 = arith.mulf %sub3A_136, %sub3A_136 : vector<512x768xf32>
    %reduce_sum3A_138 = arith.constant dense<0.000000e+00> : vector<512xf32>
    %reduce_sum3A_139 = vector.multi_reduction <add>, %mul3A_137, %reduce_sum3A_138 [1] : vector<512x768xf32> to vector<512xf32>
    %broadcast_in_dim3A_140 = vector.shape_cast %reduce_sum3A_139 : vector<512xf32> to vector<512x1xf32>
    %div3A_141 = arith.constant 7.680000e+02 : f32
    %div3A_142 = vector.broadcast %div3A_141 : f32 to vector<512x1xf32>
    %div3A_143 = arith.divf %broadcast_in_dim3A_140, %div3A_142 : vector<512x1xf32>
    %add3A_144 = arith.constant 9.99999974E-6 : f32
    %add3A_145 = vector.broadcast %add3A_144 : f32 to vector<512x1xf32>
    %add3A_146 = arith.addf %div3A_143, %add3A_145 : vector<512x1xf32>
    %rsqrt3A_147 = math.rsqrt %add3A_146 : vector<512x1xf32>
    %mul3A_148 = vector.broadcast %rsqrt3A_147 : vector<512x1xf32> to vector<512x768xf32>
    %mul3A_149 = arith.mulf %sub3A_136, %mul3A_148 : vector<512x768xf32>
    %get3A_150 = arith.constant 0 : index
    %get3A_151 = arith.constant 0 : index
    %get3A_152 = vector.load %arg5[%get3A_150, %get3A_151] : memref<1x768xf32, #tpu.memory_space<vmem>>, vector<1x768xf32>
    %mul3A_153 = vector.broadcast %get3A_152 : vector<1x768xf32> to vector<512x768xf32>
    %mul3A_154 = arith.mulf %mul3A_149, %mul3A_153 : vector<512x768xf32>
    %get3A_155 = arith.constant 0 : index
    %get3A_156 = arith.constant 0 : index
    %get3A_157 = vector.load %arg6[%get3A_155, %get3A_156] : memref<1x768xf32, #tpu.memory_space<vmem>>, vector<1x768xf32>
    %add3A_158 = vector.broadcast %get3A_157 : vector<1x768xf32> to vector<512x768xf32>
    %add3A_159 = arith.addf %mul3A_154, %add3A_158 : vector<512x768xf32>
    %swap3A_160 = arith.constant 2 : index
    %swap3A_161 = arith.constant 0 : index
    %swap3A_162 = arith.constant 0 : index
    %swap3A_163 = vector.load %arg7[%swap3A_160, %swap3A_161, %swap3A_162] : memref<4x512x768xf32, #tpu.memory_space<vmem>>, vector<1x512x768xf32>
    %swap3A_164 = vector.shape_cast %swap3A_163 : vector<1x512x768xf32> to vector<512x768xf32>
    %swap3A_165 = vector.shape_cast %add3A_159 : vector<512x768xf32> to vector<1x512x768xf32>
    tpu.vector_store %arg7[%swap3A_160, %swap3A_161, %swap3A_162], %swap3A_165 {strides = array<i32>} : memref<4x512x768xf32, #tpu.memory_space<vmem>>, vector<1x512x768xf32>,
    %get3A_166 = arith.constant 3 : index
    %get3A_167 = arith.constant 0 : index
    %get3A_168 = arith.constant 0 : index
    %get3A_169 = vector.load %arg2[%get3A_166, %get3A_167, %get3A_168] : memref<4x1x512xi32, #tpu.memory_space<vmem>>, vector<1x1x512xi32>
    %get3A_170 = vector.shape_cast %get3A_169 : vector<1x1x512xi32> to vector<1x512xi32>
    %transpose3A_171 = tpu.transpose %get3A_170, [1, 0] : vector<1x512xi32> -> vector<512x1xi32>
    %convert_element_type3A_172 = arith.sitofp %transpose3A_171 : vector<512x1xi32> to vector<512x1xf32>
    %get3A_173 = arith.constant 3 : index
    %get3A_174 = arith.constant 0 : index
    %get3A_175 = arith.constant 0 : index
    %get3A_176 = vector.load %arg1[%get3A_173, %get3A_174, %get3A_175] : memref<4x512x768xf32, #tpu.memory_space<vmem>>, vector<1x512x768xf32>
    %get3A_177 = vector.shape_cast %get3A_176 : vector<1x512x768xf32> to vector<512x768xf32>
    %add3A_178 = arith.addf %get3A_177, %add3A_5 : vector<512x768xf32>
    %mul3A_179 = vector.broadcast %convert_element_type3A_172 : vector<512x1xf32> to vector<512x768xf32>
    %mul3A_180 = vector.broadcast %sub3A : vector<1x768xf32> to vector<512x768xf32>
    %mul3A_181 = arith.mulf %mul3A_179, %mul3A_180 : vector<512x768xf32>
    %add3A_182 = arith.addf %add3A_178, %mul3A_181 : vector<512x768xf32>
    %reduce_sum3A_183 = arith.constant dense<0.000000e+00> : vector<512xf32>
    %reduce_sum3A_184 = vector.multi_reduction <add>, %add3A_182, %reduce_sum3A_183 [1] : vector<512x768xf32> to vector<512xf32>
    %broadcast_in_dim3A_185 = vector.shape_cast %reduce_sum3A_184 : vector<512xf32> to vector<512x1xf32>
    %div3A_186 = arith.constant 7.680000e+02 : f32
    %div3A_187 = vector.broadcast %div3A_186 : f32 to vector<512x1xf32>
    %div3A_188 = arith.divf %broadcast_in_dim3A_185, %div3A_187 : vector<512x1xf32>
    %sub3A_189 = vector.broadcast %div3A_188 : vector<512x1xf32> to vector<512x768xf32>
    %sub3A_190 = arith.subf %add3A_182, %sub3A_189 : vector<512x768xf32>
    %mul3A_191 = arith.mulf %sub3A_190, %sub3A_190 : vector<512x768xf32>
    %reduce_sum3A_192 = arith.constant dense<0.000000e+00> : vector<512xf32>
    %reduce_sum3A_193 = vector.multi_reduction <add>, %mul3A_191, %reduce_sum3A_192 [1] : vector<512x768xf32> to vector<512xf32>
    %broadcast_in_dim3A_194 = vector.shape_cast %reduce_sum3A_193 : vector<512xf32> to vector<512x1xf32>
    %div3A_195 = arith.constant 7.680000e+02 : f32
    %div3A_196 = vector.broadcast %div3A_195 : f32 to vector<512x1xf32>
    %div3A_197 = arith.divf %broadcast_in_dim3A_194, %div3A_196 : vector<512x1xf32>
    %add3A_198 = arith.constant 9.99999974E-6 : f32
    %add3A_199 = vector.broadcast %add3A_198 : f32 to vector<512x1xf32>
    %add3A_200 = arith.addf %div3A_197, %add3A_199 : vector<512x1xf32>
    %rsqrt3A_201 = math.rsqrt %add3A_200 : vector<512x1xf32>
    %mul3A_202 = vector.broadcast %rsqrt3A_201 : vector<512x1xf32> to vector<512x768xf32>
    %mul3A_203 = arith.mulf %sub3A_190, %mul3A_202 : vector<512x768xf32>
    %get3A_204 = arith.constant 0 : index
    %get3A_205 = arith.constant 0 : index
    %get3A_206 = vector.load %arg5[%get3A_204, %get3A_205] : memref<1x768xf32, #tpu.memory_space<vmem>>, vector<1x768xf32>
    %mul3A_207 = vector.broadcast %get3A_206 : vector<1x768xf32> to vector<512x768xf32>
    %mul3A_208 = arith.mulf %mul3A_203, %mul3A_207 : vector<512x768xf32>
    %get3A_209 = arith.constant 0 : index
    %get3A_210 = arith.constant 0 : index
    %get3A_211 = vector.load %arg6[%get3A_209, %get3A_210] : memref<1x768xf32, #tpu.memory_space<vmem>>, vector<1x768xf32>
    %add3A_212 = vector.broadcast %get3A_211 : vector<1x768xf32> to vector<512x768xf32>
    %add3A_213 = arith.addf %mul3A_208, %add3A_212 : vector<512x768xf32>
    %swap3A_214 = arith.constant 3 : index
    %swap3A_215 = arith.constant 0 : index
    %swap3A_216 = arith.constant 0 : index
    %swap3A_217 = vector.load %arg7[%swap3A_214, %swap3A_215, %swap3A_216] : memref<4x512x768xf32, #tpu.memory_space<vmem>>, vector<1x512x768xf32>
    %swap3A_218 = vector.shape_cast %swap3A_217 : vector<1x512x768xf32> to vector<512x768xf32>
    %swap3A_219 = vector.shape_cast %add3A_213 : vector<512x768xf32> to vector<1x512x768xf32>
    tpu.vector_store %arg7[%swap3A_214, %swap3A_215, %swap3A_216], %swap3A_219 {strides = array<i32>} : memref<4x512x768xf32, #tpu.memory_space<vmem>>, vector<1x512x768xf32>,
    return
  }
  func.func @transform_0(%arg0: i32) -> (i32, i32, i32) {
    %c0_i32 = arith.constant 0 : i32
    %c0_i32_0 = arith.constant 0 : i32
    %c0_i32_1 = arith.constant 0 : i32
    return %arg0, %c0_i32, %c0_i32_0 : i32, i32, i32
  }
  func.func @transform_1(%arg0: i32) -> (i32, i32, i32) {
    %add3A = arith.constant 0 : i32
    %add3A_0 = arith.addi %arg0, %add3A : i32
    %c0_i32 = arith.constant 0 : i32
    %c0_i32_1 = arith.constant 0 : i32
    %c0_i32_2 = arith.constant 0 : i32
    return %add3A_0, %c0_i32, %c0_i32_1 : i32, i32, i32
  }
  func.func @transform_2(%arg0: i32) -> (i32, i32) {
    %c0_i32 = arith.constant 0 : i32
    %c0_i32_0 = arith.constant 0 : i32
    %c0_i32_1 = arith.constant 0 : i32
    return %c0_i32, %c0_i32_0 : i32, i32
  }
  func.func @transform_3(%arg0: i32) -> (i32, i32) {
    %c0_i32 = arith.constant 0 : i32
    %c0_i32_0 = arith.constant 0 : i32
    %c0_i32_1 = arith.constant 0 : i32
    return %c0_i32, %c0_i32_0 : i32, i32
  }
  func.func @transform_4(%arg0: i32) -> (i32, i32) {
    %c0_i32 = arith.constant 0 : i32
    %c0_i32_0 = arith.constant 0 : i32
    %c0_i32_1 = arith.constant 0 : i32
    return %c0_i32, %c0_i32_0 : i32, i32
  }
  func.func @transform_5(%arg0: i32) -> (i32, i32) {
    %c0_i32 = arith.constant 0 : i32
    %c0_i32_0 = arith.constant 0 : i32
    %c0_i32_1 = arith.constant 0 : i32
    return %c0_i32, %c0_i32_0 : i32, i32
  }
  func.func @transform_6(%arg0: i32) -> (i32, i32, i32) {
    %add3A = arith.constant 0 : i32
    %add3A_0 = arith.addi %arg0, %add3A : i32
    %c0_i32 = arith.constant 0 : i32
    %c0_i32_1 = arith.constant 0 : i32
    %c0_i32_2 = arith.constant 0 : i32
    return %add3A_0, %c0_i32, %c0_i32_1 : i32, i32, i32
  }
}

</mosaic_0001>

<sc_bundles>
// kernel: kernel.6.cloned.1.call-start
scs
__scs_entry_jumppad:
0x0: {  	(pc) =	sbr.rel $0x88, $3  }
0x1: {  	(tag) =	ssettag $0x0;
	lr =	simm.s32 $0x1  }
0x2: {  	[smem:$0x3F9A] =	sst lr;
	_ =	strace $0xD0000000  }
0x3: {  	_ = 	snop  }
0x4: {  	_ = 	snop  }
0x5: {  	_ = 	snop  }
0x6: {  	_ = 	snop  }
0x7: {  	_ = 	snop  }
__scs_overlays_trampoline_lowered:
0x8: {  	[smem:$0x3FA9] =	sst s0  }
0x9: {  	[smem:$0x3FAA] =	sst s1  }
0xa: {  	[smem:$0x3FAB] =	sst s2  }
0xb: {  	[smem:$0x3FAC] =	sst s3  }
0xc: {  	[smem:$0x3FAD] =	sst s4  }
0xd: {  	[smem:$0x3FAE] =	sst s5  }
0xe: {  	[smem:$0x3FAF] =	sst s6  }
0xf: {  	[smem:$0x3FB0] =	sst s7  }
0x10: {  	[smem:$0x3FB1] =	sst s8  }
0x11: {  	[smem:$0x3FB2] =	sst s9;
	s0 =	simm.s32 @!p0 $0x0  }
0x12: {  	s1 =	sld [smem:$0x3F98];
	s0 =	simm.s32 @p0 $0x1  }
0x13: {  	[smem:$0x3FB3] =	sst s0;
	s0 =	simm.s32 @!p1 $0x0  }
0x14: {  	s2 =	sld [smem:$0x3F97];
	s0 =	simm.s32 @p1 $0x1  }
0x15: {  	[smem:$0x3FB4] =	sst s0;
	s0 =	simm.s32 @!p2 $0x0  }
0x16: {  	s3 =	sld [smem:$0x3FDB];
	s0 =	simm.s32 @p2 $0x1  }
0x17: {  	s4 =	simm.s32 $0x1BF5;
	[smem:$0x3FB6] =	sst s0  }
0x18: {  	s0 =	sld [smem:$0x3F99];
	_ =	swait.ge [sflag:s4], $0x0  }
0x19: {  	s7 =	sld [smem:$0x3F9A]  }
0x1a: {  	s8 =	sadd.s32 $0xFFFFE003, lr  }
0x1b: {  	s9 =	sadd.s32 $0xFFFFFEF7, lr;
	s5 =	simm.s32 $0xFFFFFFFF;
	p2 =	slt.u32 s8, $0xFFFFF086  }
0x1c: {  	p1 =	slt.u32 s9, $0xF7A;
	s5 =	simm.s32 @!p2 $0x0  }
0x1d: {  	s5 =	simm.s32 @p1 $0x1;
	p0 =	seq.s32 s7, s2  }
0x1e: {  	s7 =	smul.u32 @!p0 $0xF7A, s2;
	p2 =	seq.s32 @!p0 s5, $0x0  }
0x1f: {  	s9 =	smul.u32 $0xF7A, s1;
	s8 =	simm.s32 @!p0 $0x1BF5;
	p2 =	por !p2, p0  }
0x20: {  	[sflag:s8] =	ssyncset.s32 @!p0 $0xFFFFF086;
	s6 =	sadd.s32 @!p0 s3, s7;
	s7 =	simm.s32 @!p0 $0x108  }
0x21: {  	s3 =	sadd.s32 s3, s9;
	s6 =	sadd.s32 @!p0 $0x88, s6;
	s7 =	simm.s32 @p2 $0x1082  }
0x22: {  	[simem:s7], [sflag:s8] =	dma.local @!p0 [hbm:s6], $0xF7A  }
0x23: {  	s9 =	sor.u32 $0xD0000000, s2;
	s6 =	simm.s32 $0x108;
	_ =	swait.ge @!p0 [sflag:s8], $0x0  }
0x24: {  	s3 =	sadd.s32 $0x88, s3;
	s6 =	simm.s32 @!p1 $0x1082;
	[sflag:s4] =	ssyncset.s32 $0xFFFFF086  }
0x25: {  	[simem:s6], [sflag:s4] =	dma.local [hbm:s3], $0xF7A  }
0x26: {  	[smem:$0x3F9A] =	sst s1;
	(tag) =	ssettag s2;
	_ =	strace s9  }
0x27: {  	s1 =	sld [smem:$0x3FAA]  }
0x28: {  	s2 =	sld [smem:$0x3FAB]  }
0x29: {  	s4 =	sld [smem:$0x3FAD]  }
0x2a: {  	p0 =	seq.s32 s5, $0x0;
	s5 =	sld [smem:$0x3FAE]  }
0x2b: {  	s6 =	sld [smem:$0x3FAF]  }
0x2c: {  	s7 =	sld [smem:$0x3FB0]  }
0x2d: {  	s3 =	simm.s32 $0x108;
	s8 =	sld [smem:$0x3FB1]  }
0x2e: {  	s3 =	simm.s32 @!p0 $0x1082;
	s9 =	sld [smem:$0x3FB2]  }
0x2f: {  	lr =	sadd.s32 s0, s3;
	s0 =	sld [smem:$0x3FA9]  }
0x30: {  	s3 =	sld [smem:$0x3FAC]  }
0x31: {  	[smem:$0x3FB5] =	sst s10  }
0x32: {  	s10 =	sld [smem:$0x3FB3];
	_ =	sdelay $0x3  }
0x33: {  	p0 =	seq.s32 s10, $0x1;
	s10 =	sld [smem:$0x3FB5];
	_ =	sdelay $0x3  }
0x34: {  	[smem:$0x3FB5] =	sst s10  }
0x35: {  	s10 =	sld [smem:$0x3FB4];
	_ =	sdelay $0x3  }
0x36: {  	p1 =	seq.s32 s10, $0x1;
	s10 =	sld [smem:$0x3FB5];
	_ =	sdelay $0x3  }
0x37: {  	[smem:$0x3FB5] =	sst s10  }
0x38: {  	s10 =	sld [smem:$0x3FB6]  }
0x39: {  	_ = 	snop;
	(pc) =	sbr.ind lr, $3  }
0x3a: {  	_ = 	snop  }
0x3b: {  	_ = 	snop  }
0x3c: {  	p2 =	seq.s32 s10, $0x1;
	s10 =	sld [smem:$0x3FB5]  }
0x3d: {  	_ =	shalt  }
0x3e: {  	_ =	shalt  }
0x3f: {  	_ =	shalt  }
0x40: {  	_ =	shalt  }
0x41: {  	_ =	shalt  }
0x42: {  	_ =	shalt  }
0x43: {  	_ =	shalt  }
0x44: {  	_ =	shalt  }
0x45: {  	_ =	shalt  }
0x46: {  	_ =	shalt  }
0x47: {  	_ =	shalt  }
0x48: {  	_ =	shalt  }
0x49: {  	_ =	shalt  }
0x4a: {  	_ =	shalt  }
0x4b: {  	_ =	shalt  }
0x4c: {  	_ =	shalt  }
0x4d: {  	_ =	shalt  }
0x4e: {  	_ =	shalt  }
0x4f: {  	_ =	shalt  }
0x50: {  	_ =	shalt  }
0x51: {  	_ =	shalt  }
0x52: {  	_ =	shalt  }
0x53: {  	_ =	shalt  }
0x54: {  	_ =	shalt  }
0x55: {  	_ =	shalt  }
0x56: {  	_ =	shalt  }
0x57: {  	_ =	shalt  }
0x58: {  	_ =	shalt  }
0x59: {  	_ =	shalt  }
0x5a: {  	_ =	shalt  }
0x5b: {  	_ =	shalt  }
0x5c: {  	_ =	shalt  }
0x5d: {  	_ =	shalt  }
0x5e: {  	_ =	shalt  }
0x5f: {  	_ =	shalt  }
0x60: {  	_ =	shalt  }
0x61: {  	_ =	shalt  }
0x62: {  	_ =	shalt  }
0x63: {  	_ =	shalt  }
0x64: {  	_ =	shalt  }
0x65: {  	_ =	shalt  }
0x66: {  	_ =	shalt  }
0x67: {  	_ =	shalt  }
0x68: {  	_ =	shalt  }
0x69: {  	_ =	shalt  }
0x6a: {  	_ =	shalt  }
0x6b: {  	_ =	shalt  }
0x6c: {  	_ =	shalt  }
0x6d: {  	_ =	shalt  }
0x6e: {  	_ =	shalt  }
0x6f: {  	_ =	shalt  }
0x70: {  	_ =	shalt  }
0x71: {  	_ =	shalt  }
0x72: {  	_ =	shalt  }
0x73: {  	_ =	shalt  }
0x74: {  	_ =	shalt  }
0x75: {  	_ =	shalt  }
0x76: {  	_ =	shalt  }
0x77: {  	_ =	shalt  }
0x78: {  	_ =	shalt  }
0x79: {  	_ =	shalt  }
0x7a: {  	_ =	shalt  }
0x7b: {  	_ =	shalt  }
0x7c: {  	_ =	shalt  }
0x7d: {  	_ =	shalt  }
0x7e: {  	_ =	shalt  }
0x7f: {  	_ =	shalt  }
0x80: {  	_ =	shalt  }
0x81: {  	_ =	shalt  }
0x82: {  	_ =	shalt  }
0x83: {  	_ =	shalt  }
0x84: {  	_ =	shalt  }
0x85: {  	_ =	shalt  }
0x86: {  	_ =	shalt  }
0x87: {  	_ =	shalt  }
.Lfunc_end0:
.L_simem_size_0:
called_computation_lowered:
.L_overlay_start_0:
0x88: {  	s2 =	sld [smem:$0x3FD9]  }
0x89: {  	s3 =	sld [smem:$0x3FFE];
	_ =	sdelay $0x1  }
0x8a: {  	s1 =	srdreg.scid  }
0x8b: {  	s0 =	sand.u32 $0x1, s1  }
0x8c: {  	s17 =	sshll.u32 s0, $0xA;
	s2 =	sadd.s32 s3, s2  }
0x8d: {  	s2 =	sadd.s32 s2, s17  }
0x8e: {  	[smem:$0x3FC1] =	sst s2  }
0x8f: {  	_ = 	snop  }
0x90: {  	s2 =	sld [smem:$0x3FC7];
	(tm) =	ssettm $0x1  }
0x91: {  	s18 =	sld [smem:$0x3FFB];
	_ =	sdelay $0x3  }
0x92: {  	_ =	strace s18  }
0x93: {  	s3 =	sld [smem:$0x3FFC];
	_ =	sdelay $0x3  }
0x94: {  	_ =	strace s3  }
0x95: {  	s3 =	sld [smem:$0x3FFD];
	_ =	sdelay $0x3  }
0x96: {  	_ =	strace s3  }
0x97: {  	_ =	strace $0x8FFFFFFF  }
0x98: {  	s19 =	sld [smem:$0x3FDB];
	_ =	sdelay $0x1  }
0x99: {  	s4 =	simm.s32 $_scs_section_size  }
0x9a: {  	s5 =	simm.s32 $_size__tile_overlayer_lowered;
	s6 =	simm.s32 $_tile_overlayer_lowered  }
0x9b: {  	s22 =	simm.s32 $0x1BFF;
	s21 =	sshll.u32 s6, $0x1;
	s3 =	sadd.s32 s4, s19  }
0x9c: {  	s7 =	simm.s32 $0x0;
	s20 =	sshll.u32 s5, $0x1;
	s5 =	sadd.s32 s21, s3  }
0x9d: {  	[timem:s7], [sflag:s22] =	dma.local [hbm:s5], s20  }
0x9e: {  	_ =	swait.ge [sflag:s22], s20  }
0x9f: {  	s4 =	ssub.s32 $0x0, s20;
	[sflag:s22] =	ssyncset.done $0x0  }
0xa0: {  	[sflag:s22] =	ssyncadd.s32 s4;
	_ =	sdelay $0x1  }
0xa1: {  	s23 =	simm.s32 $0x1B8B  }
0xa2: {  	_ =	swait.ge [sflag:s23], $0x1  }
0xa3: {  	[sflag:s23] =	ssyncset.done $0x0  }
0xa4: {  	s25 =	simm.s32 $0x1B8E;
	s24 =	sld [smem:$0x3FFE];
	[sflag:s23] =	ssyncadd.s32 $0xFFFFFFFF  }
0xa5: {  	s26 =	simm.s32 $execute0_lowered;
	[smem:$0x3FD2] =	sst s25  }
0xa6: {  	s5 =	sshll.u32 s26, $0x1;
	_ =	strace $0x80000046;
	[dreg:$0x1] =	wrdreg $0xFFFFFFFF  }
0xa7: {  	s28 =	simm.s32 $_size_execute0_lowered;
	s3 =	sadd.s32 s3, s5;
	[dreg:$0x0] =	wrdreg $0x0  }
0xa8: {  	s5 =	sshll.u32 s28, $0x1;
	[dreg:$0x2] =	wrdreg s3  }
0xa9: {  	[dreg:$0x3] =	wrdreg s5  }
0xaa: {  	[dreg:$0x4] =	wrdreg $0xC0  }
0xab: {  	_ =	task [dreg:s7], $0x5FFFF  }
0xac: {  	[dreg:$0x1] =	wrdreg $0xFFFFFFFF  }
0xad: {  	[dreg:$0x0] =	wrdreg $0x60  }
0xae: {  	[dreg:$0x2] =	wrdreg s2  }
0xaf: {  	[dreg:$0x3] =	wrdreg s24  }
0xb0: {  	[dreg:$0x4] =	wrdreg $0x9  }
0xb1: {  	_ =	task.clear_ibuf [dreg:s7], $0x5FFFF;
	_ =	strace $0x90000046  }
0xb2: {  	s29 =	simm.s32 $0x9;
	_ =	strace $0x80000048  }
0xb3: {  	_ =	swait.ge [sflag:s29], $0x1  }
0xb4: {  	[sflag:s29] =	ssyncadd.s32 $0xFFFFFFFF  }
0xb5: {  	_ =	strace $0x90000048  }
0xb6: {  	_ =	sfence  }
0xb7: {  	s30 =	sld [smem:$0x0];
	_ =	sdelay $0x2  }
0xb8: {  	s31 =	sshll.u32 s1, $0xD;
	s1 =	sshrl.u32 s1, $0x2  }
0xb9: {  	s3 =	sand.u32 $0x4000, s31;
	s1 =	sadd.s32 s1, s30  }
0xba: {  	s0 =	sor.u32 s3, s0;
	s1 =	sshll.u32 s1, $0x11  }
0xbb: {  	s0 =	sor.u32 s1, s0  }
0xbc: {  	s0 =	sadd.s32 $0x8F2B, s0  }
0xbd: {  	[sflag:s0] =	ssyncadd.remote.s32 $0x1  }
0xbe: {  	_ =	sfence.sel $0xFFFF  }
0xbf: {  	[dreg:$0x0] =	wrdreg $0xFFFFFFFF;
	(pc) =	sbr.abs _section_cstart, $3  }
0xc0: {  	[dreg:$0x1] =	wrdreg $0xFFFFFFFF  }
0xc1: {  	_ =	task.clear_ibuf [dreg:s7], $0x2FFFF;
	_ =	strace $0x9FFFFFFF  }
0xc2: {  	(tm) =	ssettm $0x7FFFFFFF  }
0xc3: {  	_ =	shalt  }
tec
execute0_lowered:
.L_overlay_start_1:
0x0: {  	(tag) =	ssettag $0x1  }
0x1: {  	s0 =	srdreg.scid;
	s2 =	rddreg [dreg:$0x0]  }
0x2: {  	s3 =	stileid.u32;
	s1 =	rddreg [dreg:$0x1]  }
0x3: {  	s13 =	simm.s32 $0x3;
	s14 =	simm.s32 $0x4;
	s16 =	simm.s32 $0x900  }
0x4: {  	s17 =	simm.s32 $0x1100;
	s18 =	simm.s32 $0x1900;
	s19 =	simm.s32 $0x2100  }
0x5: {  	s20 =	simm.s32 $0x2900;
	s21 =	simm.s32 $0x3100;
	s22 =	simm.s32 $0x3900  }
0x6: {  	s28 =	simm.s32 $0x6100;
	s29 =	simm.s32 $0x6900;
	s30 =	simm.s32 $0x7100  }
0x7: {  	s31 =	simm.s32 $0x7900;
	s11 =	simm.s32 $0x9100;
	s0 =	sand.u32 $0x1, s0  }
0x8: {  	s9 =	simm.s32 $0xA100;
	s4 =	sshll.u32 s3, $0x6;
	s5 =	sshll.u32 s0, $0x5  }
0x9: {  	s10 =	simm.s32 $0xB100;
	s3 =	simm.s32 $0x0;
	s4 =	sor.u32 s5, s4  }
0xa: {  	[smem:$0x7FF] =	sst s3;
	s0 =	ssub.s32 $0x2, s0;
	s5 =	smul.u32 $0x300, s4  }
0xb: {  	_ =	strace $0x80000047;
	s25 =	sshrl.u32 s0, $0x1;
	s6 =	smul.u32 $0x1800, s4  }
0xc: {  	s4 =	sadd.s32 s4, s1;
	s1 =	sadd.s32 $0x1A00, s1;
	s0 =	ssub.s32 s0, s25  }
0xd: {  	s25 =	simm.s32 $0x5100;
	s4 =	sadd.s32 $0x1200, s4;
	s7 =	sadd.s32 s1, s5  }
0xe: {  	s23 =	sshrl.u32 s6, $0x3;
	[dreg:$0x3] =	wrdreg s4;
	s5 =	sadd.s32 $0x100, s2  }
0xf: {  	s6 =	sadd.s32 $0x200, s2;
	s4 =	simm.s32 $0x2;
	[dreg:$0x7] =	wrdreg s7  }
0x10: {  	s24 =	sadd.s32 $0x1800, s7;
	s1 =	sadd.s32 s1, s23;
	s7 =	smax.u32 s0, $0x1  }
0x11: {  	v2 =	vlaneseq.u32;
	s23 =	simm.s32 $0x4100;
	[dreg:$0x4] =	wrdreg s24;
	s26 =	sadd.s32 $0x3000, s1  }
0x12: {  	vm0 =	vmmov $0xffff;
	v1 =	vshrl.u32 v2, $0x3;
	s1 =	sadd.s32 $0x4800, s1;
	s24 =	simm.s32 $0x4900;
	[dreg:$0x5] =	wrdreg s26  }
0x13: {  	v0 =	vand.u32 $0x7, v2;
	v2 =	vor.u32 $0x8, v2;
	v1 =	vmul.u32 $0x8, v1;
	[dreg:$0x6] =	wrdreg s1;
	s26 =	simm.s32 $0x5900;
	s1 =	simm.s32 $0xC100  }
.LBB2_1:
0x14: {  	s15 =	rddreg [dreg:$0x3];
	s0 =	simm.s32 $0x5  }
0x15: {  	[tilespmem:s3], [sflag:$0x5] =	stream.linear.gather [hbm4b:s15+s3], $0x100, $0x38;
	[tilespmem:$0x18100] =	vst v63  }
0x16: {  	_ =	swait.ge [sflag:s0], $0x100  }
0x17: {  	[sflag:s0] =	ssyncset.done $0x0  }
0x18: {  	[sflag:s0] =	ssyncadd.s32 $0xFFFFFF00  }
0x19: {  	v3 =	vld [tilespmem:$0x0];
	_ =	sdelay $0x4  }
0x1a: {  	v4 =	vshrl.u32 v3, $0x3  }
0x1b: {  	v4 =	vmul.u32 $0x30, v4  }
0x1c: {  	v3 =	vand.u32 $0x7, v3  }
0x1d: {  	v3 =	vor.u32 v3, v4  }
0x1e: {  	v4 =	vperm.xlane v3, v0;
	_ =	sdelay $0x1  }
0x1f: {  	v4 =	vadd.s32 v1, v4;
	_ =	sdelay $0x3  }
0x20: {  	s15 =	simm.s32 $0x100;
	v3 =	vperm.xlane v3, v2  }
0x21: {  	[tilespmem:s15], [sflag:$0x1] =	stream.indirect_vreg.gather [hbm4b:s2+s3], $0x80, v4, vm0, $0xb8;
	[tilespmem:$0x18100] =	vst v63  }
0x22: {  	v3 =	vadd.s32 v1, v3  }
0x23: {  	[tilespmem:s16], [sflag:$0x1] =	stream.indirect_vreg.gather [hbm4b:s5+s3], $0x80, v4, vm0, $0xb8;
	[tilespmem:$0x18100] =	vst v63  }
0x24: {  	_ = 	snop  }
0x25: {  	[tilespmem:s17], [sflag:$0x1] =	stream.indirect_vreg.gather [hbm4b:s6+s3], $0x80, v4, vm0, $0xb8;
	[tilespmem:$0x18100] =	vst v63  }
0x26: {  	_ = 	snop  }
0x27: {  	[tilespmem:s18], [sflag:$0x1] =	stream.indirect_vreg.gather [hbm4b:s2+s3], $0x80, v3, vm0, $0xb8;
	[tilespmem:$0x18100] =	vst v63  }
0x28: {  	_ = 	snop  }
0x29: {  	[tilespmem:s19], [sflag:$0x1] =	stream.indirect_vreg.gather [hbm4b:s5+s3], $0x80, v3, vm0, $0xb8;
	[tilespmem:$0x18100] =	vst v63  }
0x2a: {  	_ = 	snop  }
0x2b: {  	[tilespmem:s20], [sflag:$0x1] =	stream.indirect_vreg.gather [hbm4b:s6+s3], $0x80, v3, vm0, $0xb8;
	[tilespmem:$0x18100] =	vst v63  }
0x2c: {  	v3 =	vld [tilespmem:$0x10];
	_ =	sdelay $0x4  }
0x2d: {  	v49 =	vshrl.u32 v3, $0x3  }
0x2e: {  	v4 =	vmul.u32 $0x30, v49  }
0x2f: {  	v3 =	vand.u32 $0x7, v3  }
0x30: {  	v3 =	vor.u32 v3, v4  }
0x31: {  	v4 =	vperm.xlane v3, v0;
	_ =	sdelay $0x1  }
0x32: {  	v4 =	vadd.s32 v1, v4;
	_ =	sdelay $0x3  }
0x33: {  	v3 =	vperm.xlane v3, v2  }
0x34: {  	[tilespmem:s21], [sflag:$0x1] =	stream.indirect_vreg.gather [hbm4b:s2+s3], $0x80, v4, vm0, $0xb8;
	[tilespmem:$0x18100] =	vst v63  }
0x35: {  	v3 =	vadd.s32 v1, v3  }
0x36: {  	[tilespmem:s22], [sflag:$0x1] =	stream.indirect_vreg.gather [hbm4b:s5+s3], $0x80, v4, vm0, $0xb8;
	[tilespmem:$0x18100] =	vst v63  }
0x37: {  	_ = 	snop  }
0x38: {  	[tilespmem:s23], [sflag:$0x1] =	stream.indirect_vreg.gather [hbm4b:s6+s3], $0x80, v4, vm0, $0xb8;
	[tilespmem:$0x18100] =	vst v63  }
0x39: {  	_ = 	snop  }
0x3a: {  	[tilespmem:s24], [sflag:$0x1] =	stream.indirect_vreg.gather [hbm4b:s2+s3], $0x80, v3, vm0, $0xb8;
	[tilespmem:$0x18100] =	vst v63  }
0x3b: {  	_ = 	snop  }
0x3c: {  	[tilespmem:s25], [sflag:$0x1] =	stream.indirect_vreg.gather [hbm4b:s5+s3], $0x80, v3, vm0, $0xb8;
	[tilespmem:$0x18100] =	vst v63  }
0x3d: {  	_ = 	snop  }
0x3e: {  	[tilespmem:s26], [sflag:$0x1] =	stream.indirect_vreg.gather [hbm4b:s6+s3], $0x80, v3, vm0, $0xb8;
	[tilespmem:$0x18100] =	vst v63  }
0x3f: {  	v3 =	vld [tilespmem:$0x20];
	_ =	sdelay $0x4  }
0x40: {  	v50 =	vshrl.u32 v3, $0x3  }
0x41: {  	v4 =	vmul.u32 $0x30, v50  }
0x42: {  	v3 =	vand.u32 $0x7, v3  }
0x43: {  	v3 =	vor.u32 v3, v4  }
0x44: {  	v4 =	vperm.xlane v3, v0;
	_ =	sdelay $0x1  }
0x45: {  	v4 =	vadd.s32 v1, v4;
	_ =	sdelay $0x3  }
0x46: {  	v3 =	vperm.xlane v3, v2  }
0x47: {  	[tilespmem:s28], [sflag:$0x1] =	stream.indirect_vreg.gather [hbm4b:s2+s3], $0x80, v4, vm0, $0xb8;
	[tilespmem:$0x18100] =	vst v63  }
0x48: {  	v3 =	vadd.s32 v1, v3  }
0x49: {  	[tilespmem:s29], [sflag:$0x1] =	stream.indirect_vreg.gather [hbm4b:s5+s3], $0x80, v4, vm0, $0xb8;
	[tilespmem:$0x18100] =	vst v63  }
0x4a: {  	_ = 	snop  }
0x4b: {  	[tilespmem:s30], [sflag:$0x1] =	stream.indirect_vreg.gather [hbm4b:s6+s3], $0x80, v4, vm0, $0xb8;
	[tilespmem:$0x18100] =	vst v63  }
0x4c: {  	_ = 	snop  }
0x4d: {  	[tilespmem:s31], [sflag:$0x1] =	stream.indirect_vreg.gather [hbm4b:s2+s3], $0x80, v3, vm0, $0xb8;
	[tilespmem:$0x18100] =	vst v63  }
0x4e: {  	s8 =	simm.s32 $0x8100  }
0x4f: {  	[tilespmem:s8], [sflag:$0x1] =	stream.indirect_vreg.gather [hbm4b:s5+s3], $0x80, v3, vm0, $0xb8;
	[tilespmem:$0x18100] =	vst v63  }
0x50: {  	s12 =	simm.s32 $0x8900  }
0x51: {  	[tilespmem:s12], [sflag:$0x1] =	stream.indirect_vreg.gather [hbm4b:s6+s3], $0x80, v3, vm0, $0xb8;
	[tilespmem:$0x18100] =	vst v63  }
0x52: {  	v3 =	vld [tilespmem:$0x30];
	_ =	sdelay $0x4  }
0x53: {  	v51 =	vshrl.u32 v3, $0x3  }
0x54: {  	v4 =	vmul.u32 $0x30, v51  }
0x55: {  	v3 =	vand.u32 $0x7, v3  }
0x56: {  	v3 =	vor.u32 v3, v4  }
0x57: {  	v4 =	vperm.xlane v3, v0;
	_ =	sdelay $0x1  }
0x58: {  	v4 =	vadd.s32 v1, v4;
	_ =	sdelay $0x3  }
0x59: {  	v3 =	vperm.xlane v3, v2  }
0x5a: {  	[tilespmem:s11], [sflag:$0x1] =	stream.indirect_vreg.gather [hbm4b:s2+s3], $0x80, v4, vm0, $0xb8;
	[tilespmem:$0x18100] =	vst v63  }
0x5b: {  	s8 =	simm.s32 $0x9900;
	v3 =	vadd.s32 v1, v3  }
0x5c: {  	[tilespmem:s8], [sflag:$0x1] =	stream.indirect_vreg.gather [hbm4b:s5+s3], $0x80, v4, vm0, $0xb8;
	[tilespmem:$0x18100] =	vst v63  }
0x5d: {  	_ = 	snop  }
0x5e: {  	[tilespmem:s9], [sflag:$0x1] =	stream.indirect_vreg.gather [hbm4b:s6+s3], $0x80, v4, vm0, $0xb8;
	[tilespmem:$0x18100] =	vst v63  }
0x5f: {  	s15 =	simm.s32 $0xA900  }
0x60: {  	[tilespmem:s15], [sflag:$0x1] =	stream.indirect_vreg.gather [hbm4b:s2+s3], $0x80, v3, vm0, $0xb8;
	[tilespmem:$0x18100] =	vst v63  }
0x61: {  	_ = 	snop  }
0x62: {  	[tilespmem:s10], [sflag:$0x1] =	stream.indirect_vreg.gather [hbm4b:s5+s3], $0x80, v3, vm0, $0xb8;
	[tilespmem:$0x18100] =	vst v63  }
0x63: {  	s0 =	simm.s32 $0x1;
	s12 =	simm.s32 $0xB900  }
0x64: {  	[tilespmem:s12], [sflag:$0x1] =	stream.indirect_vreg.gather [hbm4b:s6+s3], $0x80, v3, vm0, $0xb8;
	[tilespmem:$0x18100] =	vst v63  }
0x65: {  	_ =	swait.ge [sflag:s0], $0xC000  }
0x66: {  	[sflag:s0] =	ssyncset.done $0x0  }
0x67: {  	[sflag:s0] =	ssyncadd.s32 $0xFFFF4000  }
0x68: {  	v3 =	vld [tilespmem:$0x40];
	_ =	sdelay $0x4  }
0x69: {  	v52 =	vshrl.u32 v3, $0x3  }
0x6a: {  	v4 =	vmul.u32 $0x30, v52  }
0x6b: {  	v3 =	vand.u32 $0x7, v3  }
0x6c: {  	v3 =	vor.u32 v3, v4  }
0x6d: {  	v4 =	vperm.xlane v3, v0;
	_ =	sdelay $0x1  }
0x6e: {  	v4 =	vadd.s32 v1, v4;
	_ =	sdelay $0x3  }
0x6f: {  	v3 =	vperm.xlane v3, v2  }
0x70: {  	[tilespmem:s1], [sflag:$0x2] =	stream.indirect_vreg.gather [hbm4b:s2+s3], $0x80, v4, vm0, $0xb8;
	[tilespmem:$0x18100] =	vst v63  }
0x71: {  	s12 =	simm.s32 $0xC900;
	v3 =	vadd.s32 v1, v3  }
0x72: {  	[tilespmem:s12], [sflag:$0x2] =	stream.indirect_vreg.gather [hbm4b:s5+s3], $0x80, v4, vm0, $0xb8;
	[tilespmem:$0x18100] =	vst v63  }
0x73: {  	s15 =	simm.s32 $0xD100  }
0x74: {  	[tilespmem:s15], [sflag:$0x2] =	stream.indirect_vreg.gather [hbm4b:s6+s3], $0x80, v4, vm0, $0xb8;
	[tilespmem:$0x18100] =	vst v63  }
0x75: {  	s15 =	simm.s32 $0xD900  }
0x76: {  	[tilespmem:s15], [sflag:$0x2] =	stream.indirect_vreg.gather [hbm4b:s2+s3], $0x80, v3, vm0, $0xb8;
	[tilespmem:$0x18100] =	vst v63  }
0x77: {  	s15 =	simm.s32 $0xE100  }
0x78: {  	[tilespmem:s15], [sflag:$0x2] =	stream.indirect_vreg.gather [hbm4b:s5+s3], $0x80, v3, vm0, $0xb8;
	[tilespmem:$0x18100] =	vst v63  }
0x79: {  	s15 =	simm.s32 $0xE900  }
0x7a: {  	[tilespmem:s15], [sflag:$0x2] =	stream.indirect_vreg.gather [hbm4b:s6+s3], $0x80, v3, vm0, $0xb8;
	[tilespmem:$0x18100] =	vst v63  }
0x7b: {  	v3 =	vld [tilespmem:$0x50];
	_ =	sdelay $0x4  }
0x7c: {  	v53 =	vshrl.u32 v3, $0x3  }
0x7d: {  	v4 =	vmul.u32 $0x30, v53  }
0x7e: {  	v3 =	vand.u32 $0x7, v3  }
0x7f: {  	v3 =	vor.u32 v3, v4  }
0x80: {  	v4 =	vperm.xlane v3, v0;
	_ =	sdelay $0x1  }
0x81: {  	v4 =	vadd.s32 v1, v4;
	_ =	sdelay $0x3  }
0x82: {  	s15 =	simm.s32 $0xF100;
	v3 =	vperm.xlane v3, v2  }
0x83: {  	[tilespmem:s15], [sflag:$0x2] =	stream.indirect_vreg.gather [hbm4b:s2+s3], $0x80, v4, vm0, $0xb8;
	[tilespmem:$0x18100] =	vst v63  }
0x84: {  	v3 =	vadd.s32 v1, v3;
	s15 =	simm.s32 $0xF900  }
0x85: {  	[tilespmem:s15], [sflag:$0x2] =	stream.indirect_vreg.gather [hbm4b:s5+s3], $0x80, v4, vm0, $0xb8;
	[tilespmem:$0x18100] =	vst v63  }
0x86: {  	s15 =	simm.s32 $0x10100  }
0x87: {  	[tilespmem:s15], [sflag:$0x2] =	stream.indirect_vreg.gather [hbm4b:s6+s3], $0x80, v4, vm0, $0xb8;
	[tilespmem:$0x18100] =	vst v63  }
0x88: {  	s15 =	simm.s32 $0x10900  }
0x89: {  	[tilespmem:s15], [sflag:$0x2] =	stream.indirect_vreg.gather [hbm4b:s2+s3], $0x80, v3, vm0, $0xb8;
	[tilespmem:$0x18100] =	vst v63  }
0x8a: {  	s15 =	simm.s32 $0x11100  }
0x8b: {  	[tilespmem:s15], [sflag:$0x2] =	stream.indirect_vreg.gather [hbm4b:s5+s3], $0x80, v3, vm0, $0xb8;
	[tilespmem:$0x18100] =	vst v63  }
0x8c: {  	s15 =	simm.s32 $0x11900  }
0x8d: {  	[tilespmem:s15], [sflag:$0x2] =	stream.indirect_vreg.gather [hbm4b:s6+s3], $0x80, v3, vm0, $0xb8;
	[tilespmem:$0x18100] =	vst v63  }
0x8e: {  	v3 =	vld [tilespmem:$0x60];
	_ =	sdelay $0x4  }
0x8f: {  	v54 =	vshrl.u32 v3, $0x3  }
0x90: {  	v4 =	vmul.u32 $0x30, v54  }
0x91: {  	v3 =	vand.u32 $0x7, v3  }
0x92: {  	v3 =	vor.u32 v3, v4  }
0x93: {  	v4 =	vperm.xlane v3, v0;
	_ =	sdelay $0x1  }
0x94: {  	v4 =	vadd.s32 v1, v4;
	_ =	sdelay $0x3  }
0x95: {  	s15 =	simm.s32 $0x12100;
	v3 =	vperm.xlane v3, v2  }
0x96: {  	[tilespmem:s15], [sflag:$0x2] =	stream.indirect_vreg.gather [hbm4b:s2+s3], $0x80, v4, vm0, $0xb8;
	[tilespmem:$0x18100] =	vst v63  }
0x97: {  	v3 =	vadd.s32 v1, v3;
	s15 =	simm.s32 $0x12900  }
0x98: {  	[tilespmem:s15], [sflag:$0x2] =	stream.indirect_vreg.gather [hbm4b:s5+s3], $0x80, v4, vm0, $0xb8;
	[tilespmem:$0x18100] =	vst v63  }
0x99: {  	s15 =	simm.s32 $0x13100  }
0x9a: {  	[tilespmem:s15], [sflag:$0x2] =	stream.indirect_vreg.gather [hbm4b:s6+s3], $0x80, v4, vm0, $0xb8;
	[tilespmem:$0x18100] =	vst v63  }
0x9b: {  	s15 =	simm.s32 $0x13900  }
0x9c: {  	[tilespmem:s15], [sflag:$0x2] =	stream.indirect_vreg.gather [hbm4b:s2+s3], $0x80, v3, vm0, $0xb8;
	[tilespmem:$0x18100] =	vst v63  }
0x9d: {  	s15 =	simm.s32 $0x14100  }
0x9e: {  	[tilespmem:s15], [sflag:$0x2] =	stream.indirect_vreg.gather [hbm4b:s5+s3], $0x80, v3, vm0, $0xb8;
	[tilespmem:$0x18100] =	vst v63  }
0x9f: {  	s15 =	simm.s32 $0x14900  }
0xa0: {  	[tilespmem:s15], [sflag:$0x2] =	stream.indirect_vreg.gather [hbm4b:s6+s3], $0x80, v3, vm0, $0xb8;
	[tilespmem:$0x18100] =	vst v63  }
0xa1: {  	v3 =	vld [tilespmem:$0x70];
	_ =	sdelay $0x4  }
0xa2: {  	v55 =	vshrl.u32 v3, $0x3  }
0xa3: {  	v4 =	vmul.u32 $0x30, v55  }
0xa4: {  	v3 =	vand.u32 $0x7, v3  }
0xa5: {  	v3 =	vor.u32 v3, v4  }
0xa6: {  	v4 =	vperm.xlane v3, v0;
	_ =	sdelay $0x1  }
0xa7: {  	v4 =	vadd.s32 v1, v4;
	_ =	sdelay $0x3  }
0xa8: {  	s15 =	simm.s32 $0x15100;
	v3 =	vperm.xlane v3, v2  }
0xa9: {  	[tilespmem:s15], [sflag:$0x2] =	stream.indirect_vreg.gather [hbm4b:s2+s3], $0x80, v4, vm0, $0xb8;
	[tilespmem:$0x18100] =	vst v63  }
0xaa: {  	v3 =	vadd.s32 v1, v3;
	s15 =	simm.s32 $0x15900  }
0xab: {  	[tilespmem:s15], [sflag:$0x2] =	stream.indirect_vreg.gather [hbm4b:s5+s3], $0x80, v4, vm0, $0xb8;
	[tilespmem:$0x18100] =	vst v63  }
0xac: {  	s15 =	simm.s32 $0x16100  }
0xad: {  	[tilespmem:s15], [sflag:$0x2] =	stream.indirect_vreg.gather [hbm4b:s6+s3], $0x80, v4, vm0, $0xb8;
	[tilespmem:$0x18100] =	vst v63  }
0xae: {  	s15 =	simm.s32 $0x16900  }
0xaf: {  	[tilespmem:s15], [sflag:$0x2] =	stream.indirect_vreg.gather [hbm4b:s2+s3], $0x80, v3, vm0, $0xb8;
	[tilespmem:$0x18100] =	vst v63  }
0xb0: {  	s15 =	simm.s32 $0x17100  }
0xb1: {  	[tilespmem:s15], [sflag:$0x2] =	stream.indirect_vreg.gather [hbm4b:s5+s3], $0x80, v3, vm0, $0xb8;
	[tilespmem:$0x18100] =	vst v63  }
0xb2: {  	s15 =	simm.s32 $0x17900  }
0xb3: {  	[tilespmem:s15], [sflag:$0x2] =	stream.indirect_vreg.gather [hbm4b:s6+s3], $0x80, v3, vm0, $0xb8;
	[tilespmem:$0x18100] =	vst v63  }
0xb4: {  	s12 =	simm.s32 $0x100;
	s15 =	rddreg [dreg:$0x7]  }
0xb5: {  	[hbm4b:s15+s3] =	stream.linear.scatter [tilespmem:s12], [sflag:$0x3], $0xC000, $0x38;
	[tilespmem:$0x18100] =	vst v63  }
0xb6: {  	_ =	swait.ge [sflag:s4], $0xC000  }
0xb7: {  	[sflag:s4] =	ssyncset.done $0x0  }
0xb8: {  	[sflag:s4] =	ssyncadd.s32 $0xFFFF4000  }
0xb9: {  	_ =	swait.ge [sflag:s13], $0xC000  }
0xba: {  	[sflag:s13] =	ssyncset.done $0x0  }
0xbb: {  	[sflag:s13] =	ssyncadd.s32 $0xFFFF4000  }
0xbc: {  	v3 =	vld [tilespmem:$0x80];
	_ =	sdelay $0x4  }
0xbd: {  	v56 =	vshrl.u32 v3, $0x3  }
0xbe: {  	v4 =	vmul.u32 $0x30, v56  }
0xbf: {  	v3 =	vand.u32 $0x7, v3  }
0xc0: {  	v3 =	vor.u32 v3, v4  }
0xc1: {  	v4 =	vperm.xlane v3, v0;
	_ =	sdelay $0x1  }
0xc2: {  	v4 =	vadd.s32 v1, v4;
	_ =	sdelay $0x3  }
0xc3: {  	v3 =	vperm.xlane v3, v2  }
0xc4: {  	[tilespmem:s12], [sflag:$0x1] =	stream.indirect_vreg.gather [hbm4b:s2+s3], $0x80, v4, vm0, $0xb8;
	[tilespmem:$0x18100] =	vst v63  }
0xc5: {  	v3 =	vadd.s32 v1, v3  }
0xc6: {  	[tilespmem:s16], [sflag:$0x1] =	stream.indirect_vreg.gather [hbm4b:s5+s3], $0x80, v4, vm0, $0xb8;
	[tilespmem:$0x18100] =	vst v63  }
0xc7: {  	_ = 	snop  }
0xc8: {  	[tilespmem:s17], [sflag:$0x1] =	stream.indirect_vreg.gather [hbm4b:s6+s3], $0x80, v4, vm0, $0xb8;
	[tilespmem:$0x18100] =	vst v63  }
0xc9: {  	_ = 	snop  }
0xca: {  	[tilespmem:s18], [sflag:$0x1] =	stream.indirect_vreg.gather [hbm4b:s2+s3], $0x80, v3, vm0, $0xb8;
	[tilespmem:$0x18100] =	vst v63  }
0xcb: {  	_ = 	snop  }
0xcc: {  	[tilespmem:s19], [sflag:$0x1] =	stream.indirect_vreg.gather [hbm4b:s5+s3], $0x80, v3, vm0, $0xb8;
	[tilespmem:$0x18100] =	vst v63  }
0xcd: {  	_ = 	snop  }
0xce: {  	[tilespmem:s20], [sflag:$0x1] =	stream.indirect_vreg.gather [hbm4b:s6+s3], $0x80, v3, vm0, $0xb8;
	[tilespmem:$0x18100] =	vst v63  }
0xcf: {  	v3 =	vld [tilespmem:$0x90];
	_ =	sdelay $0x4  }
0xd0: {  	v57 =	vshrl.u32 v3, $0x3  }
0xd1: {  	v4 =	vmul.u32 $0x30, v57  }
0xd2: {  	v3 =	vand.u32 $0x7, v3  }
0xd3: {  	v3 =	vor.u32 v3, v4  }
0xd4: {  	v4 =	vperm.xlane v3, v0;
	_ =	sdelay $0x1  }
0xd5: {  	v4 =	vadd.s32 v1, v4;
	_ =	sdelay $0x3  }
0xd6: {  	v3 =	vperm.xlane v3, v2  }
0xd7: {  	[tilespmem:s21], [sflag:$0x1] =	stream.indirect_vreg.gather [hbm4b:s2+s3], $0x80, v4, vm0, $0xb8;
	[tilespmem:$0x18100] =	vst v63  }
0xd8: {  	v3 =	vadd.s32 v1, v3  }
0xd9: {  	[tilespmem:s22], [sflag:$0x1] =	stream.indirect_vreg.gather [hbm4b:s5+s3], $0x80, v4, vm0, $0xb8;
	[tilespmem:$0x18100] =	vst v63  }
0xda: {  	_ = 	snop  }
0xdb: {  	[tilespmem:s23], [sflag:$0x1] =	stream.indirect_vreg.gather [hbm4b:s6+s3], $0x80, v4, vm0, $0xb8;
	[tilespmem:$0x18100] =	vst v63  }
0xdc: {  	_ = 	snop  }
0xdd: {  	[tilespmem:s24], [sflag:$0x1] =	stream.indirect_vreg.gather [hbm4b:s2+s3], $0x80, v3, vm0, $0xb8;
	[tilespmem:$0x18100] =	vst v63  }
0xde: {  	_ = 	snop  }
0xdf: {  	[tilespmem:s25], [sflag:$0x1] =	stream.indirect_vreg.gather [hbm4b:s5+s3], $0x80, v3, vm0, $0xb8;
	[tilespmem:$0x18100] =	vst v63  }
0xe0: {  	_ = 	snop  }
0xe1: {  	[tilespmem:s26], [sflag:$0x1] =	stream.indirect_vreg.gather [hbm4b:s6+s3], $0x80, v3, vm0, $0xb8;
	[tilespmem:$0x18100] =	vst v63  }
0xe2: {  	v3 =	vld [tilespmem:$0xA0];
	_ =	sdelay $0x4  }
0xe3: {  	v58 =	vshrl.u32 v3, $0x3  }
0xe4: {  	v4 =	vmul.u32 $0x30, v58  }
0xe5: {  	v3 =	vand.u32 $0x7, v3  }
0xe6: {  	v3 =	vor.u32 v3, v4  }
0xe7: {  	v4 =	vperm.xlane v3, v0;
	_ =	sdelay $0x1  }
0xe8: {  	v4 =	vadd.s32 v1, v4;
	_ =	sdelay $0x3  }
0xe9: {  	v3 =	vperm.xlane v3, v2  }
0xea: {  	[tilespmem:s28], [sflag:$0x1] =	stream.indirect_vreg.gather [hbm4b:s2+s3], $0x80, v4, vm0, $0xb8;
	[tilespmem:$0x18100] =	vst v63  }
0xeb: {  	v3 =	vadd.s32 v1, v3  }
0xec: {  	[tilespmem:s29], [sflag:$0x1] =	stream.indirect_vreg.gather [hbm4b:s5+s3], $0x80, v4, vm0, $0xb8;
	[tilespmem:$0x18100] =	vst v63  }
0xed: {  	_ = 	snop  }
0xee: {  	[tilespmem:s30], [sflag:$0x1] =	stream.indirect_vreg.gather [hbm4b:s6+s3], $0x80, v4, vm0, $0xb8;
	[tilespmem:$0x18100] =	vst v63  }
0xef: {  	_ = 	snop  }
0xf0: {  	[tilespmem:s31], [sflag:$0x1] =	stream.indirect_vreg.gather [hbm4b:s2+s3], $0x80, v3, vm0, $0xb8;
	[tilespmem:$0x18100] =	vst v63  }
0xf1: {  	s15 =	simm.s32 $0x8100  }
0xf2: {  	[tilespmem:s15], [sflag:$0x1] =	stream.indirect_vreg.gather [hbm4b:s5+s3], $0x80, v3, vm0, $0xb8;
	[tilespmem:$0x18100] =	vst v63  }
0xf3: {  	s15 =	simm.s32 $0x8900  }
0xf4: {  	[tilespmem:s15], [sflag:$0x1] =	stream.indirect_vreg.gather [hbm4b:s6+s3], $0x80, v3, vm0, $0xb8;
	[tilespmem:$0x18100] =	vst v63  }
0xf5: {  	v3 =	vld [tilespmem:$0xB0];
	_ =	sdelay $0x4  }
0xf6: {  	v59 =	vshrl.u32 v3, $0x3  }
0xf7: {  	v4 =	vmul.u32 $0x30, v59  }
0xf8: {  	v3 =	vand.u32 $0x7, v3  }
0xf9: {  	v3 =	vor.u32 v3, v4  }
0xfa: {  	v4 =	vperm.xlane v3, v0;
	_ =	sdelay $0x1  }
0xfb: {  	v4 =	vadd.s32 v1, v4;
	_ =	sdelay $0x3  }
0xfc: {  	v3 =	vperm.xlane v3, v2  }
0xfd: {  	[tilespmem:s11], [sflag:$0x1] =	stream.indirect_vreg.gather [hbm4b:s2+s3], $0x80, v4, vm0, $0xb8;
	[tilespmem:$0x18100] =	vst v63  }
0xfe: {  	v3 =	vadd.s32 v1, v3  }
0xff: {  	[tilespmem:s8], [sflag:$0x1] =	stream.indirect_vreg.gather [hbm4b:s5+s3], $0x80, v4, vm0, $0xb8;
	[tilespmem:$0x18100] =	vst v63  }
0x100: {  	_ = 	snop  }
0x101: {  	[tilespmem:s9], [sflag:$0x1] =	stream.indirect_vreg.gather [hbm4b:s6+s3], $0x80, v4, vm0, $0xb8;
	[tilespmem:$0x18100] =	vst v63  }
0x102: {  	s15 =	simm.s32 $0xA900  }
0x103: {  	[tilespmem:s15], [sflag:$0x1] =	stream.indirect_vreg.gather [hbm4b:s2+s3], $0x80, v3, vm0, $0xb8;
	[tilespmem:$0x18100] =	vst v63  }
0x104: {  	_ = 	snop  }
0x105: {  	[tilespmem:s10], [sflag:$0x1] =	stream.indirect_vreg.gather [hbm4b:s5+s3], $0x80, v3, vm0, $0xb8;
	[tilespmem:$0x18100] =	vst v63  }
0x106: {  	s12 =	simm.s32 $0xB900  }
0x107: {  	[tilespmem:s12], [sflag:$0x1] =	stream.indirect_vreg.gather [hbm4b:s6+s3], $0x80, v3, vm0, $0xb8;
	[tilespmem:$0x18100] =	vst v63  }
0x108: {  	s15 =	rddreg [dreg:$0x4]  }
0x109: {  	[hbm4b:s15+s3] =	stream.linear.scatter [tilespmem:s1], [sflag:$0x4], $0xC000, $0x38;
	[tilespmem:$0x18100] =	vst v63  }
0x10a: {  	_ =	swait.ge [sflag:s0], $0xC000  }
0x10b: {  	[sflag:s0] =	ssyncset.done $0x0  }
0x10c: {  	[sflag:s0] =	ssyncadd.s32 $0xFFFF4000  }
0x10d: {  	_ =	swait.ge [sflag:s14], $0xC000  }
0x10e: {  	[sflag:s14] =	ssyncset.done $0x0  }
0x10f: {  	[sflag:s14] =	ssyncadd.s32 $0xFFFF4000  }
0x110: {  	v3 =	vld [tilespmem:$0xC0];
	_ =	sdelay $0x4  }
0x111: {  	v60 =	vshrl.u32 v3, $0x3  }
0x112: {  	v4 =	vmul.u32 $0x30, v60  }
0x113: {  	v3 =	vand.u32 $0x7, v3  }
0x114: {  	v3 =	vor.u32 v3, v4  }
0x115: {  	v4 =	vperm.xlane v3, v0;
	_ =	sdelay $0x1  }
0x116: {  	v4 =	vadd.s32 v1, v4;
	_ =	sdelay $0x3  }
0x117: {  	v3 =	vperm.xlane v3, v2  }
0x118: {  	[tilespmem:s1], [sflag:$0x2] =	stream.indirect_vreg.gather [hbm4b:s2+s3], $0x80, v4, vm0, $0xb8;
	[tilespmem:$0x18100] =	vst v63  }
0x119: {  	s8 =	simm.s32 $0xC900;
	v3 =	vadd.s32 v1, v3  }
0x11a: {  	[tilespmem:s8], [sflag:$0x2] =	stream.indirect_vreg.gather [hbm4b:s5+s3], $0x80, v4, vm0, $0xb8;
	[tilespmem:$0x18100] =	vst v63  }
0x11b: {  	s12 =	simm.s32 $0xD100  }
0x11c: {  	[tilespmem:s12], [sflag:$0x2] =	stream.indirect_vreg.gather [hbm4b:s6+s3], $0x80, v4, vm0, $0xb8;
	[tilespmem:$0x18100] =	vst v63  }
0x11d: {  	s15 =	simm.s32 $0xD900  }
0x11e: {  	[tilespmem:s15], [sflag:$0x2] =	stream.indirect_vreg.gather [hbm4b:s2+s3], $0x80, v3, vm0, $0xb8;
	[tilespmem:$0x18100] =	vst v63  }
0x11f: {  	s8 =	simm.s32 $0xE100  }
0x120: {  	[tilespmem:s8], [sflag:$0x2] =	stream.indirect_vreg.gather [hbm4b:s5+s3], $0x80, v3, vm0, $0xb8;
	[tilespmem:$0x18100] =	vst v63  }
0x121: {  	s12 =	simm.s32 $0xE900  }
0x122: {  	[tilespmem:s12], [sflag:$0x2] =	stream.indirect_vreg.gather [hbm4b:s6+s3], $0x80, v3, vm0, $0xb8;
	[tilespmem:$0x18100] =	vst v63  }
0x123: {  	v3 =	vld [tilespmem:$0xD0];
	_ =	sdelay $0x4  }
0x124: {  	v61 =	vshrl.u32 v3, $0x3  }
0x125: {  	v4 =	vmul.u32 $0x30, v61  }
0x126: {  	v3 =	vand.u32 $0x7, v3  }
0x127: {  	v3 =	vor.u32 v3, v4  }
0x128: {  	v4 =	vperm.xlane v3, v0;
	_ =	sdelay $0x1  }
0x129: {  	v4 =	vadd.s32 v1, v4;
	_ =	sdelay $0x3  }
0x12a: {  	s15 =	simm.s32 $0xF100;
	v3 =	vperm.xlane v3, v2  }
0x12b: {  	[tilespmem:s15], [sflag:$0x2] =	stream.indirect_vreg.gather [hbm4b:s2+s3], $0x80, v4, vm0, $0xb8;
	[tilespmem:$0x18100] =	vst v63  }
0x12c: {  	s8 =	simm.s32 $0xF900;
	v3 =	vadd.s32 v1, v3  }
0x12d: {  	[tilespmem:s8], [sflag:$0x2] =	stream.indirect_vreg.gather [hbm4b:s5+s3], $0x80, v4, vm0, $0xb8;
	[tilespmem:$0x18100] =	vst v63  }
0x12e: {  	s12 =	simm.s32 $0x10100  }
0x12f: {  	[tilespmem:s12], [sflag:$0x2] =	stream.indirect_vreg.gather [hbm4b:s6+s3], $0x80, v4, vm0, $0xb8;
	[tilespmem:$0x18100] =	vst v63  }
0x130: {  	s15 =	simm.s32 $0x10900  }
0x131: {  	[tilespmem:s15], [sflag:$0x2] =	stream.indirect_vreg.gather [hbm4b:s2+s3], $0x80, v3, vm0, $0xb8;
	[tilespmem:$0x18100] =	vst v63  }
0x132: {  	s8 =	simm.s32 $0x11100  }
0x133: {  	[tilespmem:s8], [sflag:$0x2] =	stream.indirect_vreg.gather [hbm4b:s5+s3], $0x80, v3, vm0, $0xb8;
	[tilespmem:$0x18100] =	vst v63  }
0x134: {  	s12 =	simm.s32 $0x11900  }
0x135: {  	[tilespmem:s12], [sflag:$0x2] =	stream.indirect_vreg.gather [hbm4b:s6+s3], $0x80, v3, vm0, $0xb8;
	[tilespmem:$0x18100] =	vst v63  }
0x136: {  	v3 =	vld [tilespmem:$0xE0];
	_ =	sdelay $0x4  }
0x137: {  	v62 =	vshrl.u32 v3, $0x3  }
0x138: {  	v4 =	vmul.u32 $0x30, v62  }
0x139: {  	v3 =	vand.u32 $0x7, v3  }
0x13a: {  	v3 =	vor.u32 v3, v4  }
0x13b: {  	v4 =	vperm.xlane v3, v0;
	_ =	sdelay $0x1  }
0x13c: {  	v4 =	vadd.s32 v1, v4;
	_ =	sdelay $0x3  }
0x13d: {  	s15 =	simm.s32 $0x12100;
	v3 =	vperm.xlane v3, v2  }
0x13e: {  	[tilespmem:s15], [sflag:$0x2] =	stream.indirect_vreg.gather [hbm4b:s2+s3], $0x80, v4, vm0, $0xb8;
	[tilespmem:$0x18100] =	vst v63  }
0x13f: {  	s8 =	simm.s32 $0x12900;
	v3 =	vadd.s32 v1, v3  }
0x140: {  	[tilespmem:s8], [sflag:$0x2] =	stream.indirect_vreg.gather [hbm4b:s5+s3], $0x80, v4, vm0, $0xb8;
	[tilespmem:$0x18100] =	vst v63  }
0x141: {  	s12 =	simm.s32 $0x13100  }
0x142: {  	[tilespmem:s12], [sflag:$0x2] =	stream.indirect_vreg.gather [hbm4b:s6+s3], $0x80, v4, vm0, $0xb8;
	[tilespmem:$0x18100] =	vst v63  }
0x143: {  	s15 =	simm.s32 $0x13900  }
0x144: {  	[tilespmem:s15], [sflag:$0x2] =	stream.indirect_vreg.gather [hbm4b:s2+s3], $0x80, v3, vm0, $0xb8;
	[tilespmem:$0x18100] =	vst v63  }
0x145: {  	s8 =	simm.s32 $0x14100  }
0x146: {  	[tilespmem:s8], [sflag:$0x2] =	stream.indirect_vreg.gather [hbm4b:s5+s3], $0x80, v3, vm0, $0xb8;
	[tilespmem:$0x18100] =	vst v63  }
0x147: {  	s12 =	simm.s32 $0x14900  }
0x148: {  	[tilespmem:s12], [sflag:$0x2] =	stream.indirect_vreg.gather [hbm4b:s6+s3], $0x80, v3, vm0, $0xb8;
	[tilespmem:$0x18100] =	vst v63  }
0x149: {  	v3 =	vld [tilespmem:$0xF0];
	_ =	sdelay $0x4  }
0x14a: {  	v63 =	vshrl.u32 v3, $0x3  }
0x14b: {  	v4 =	vmul.u32 $0x30, v63  }
0x14c: {  	v3 =	vand.u32 $0x7, v3  }
0x14d: {  	v3 =	vor.u32 v3, v4  }
0x14e: {  	v4 =	vperm.xlane v3, v0;
	_ =	sdelay $0x1  }
0x14f: {  	v4 =	vadd.s32 v1, v4;
	_ =	sdelay $0x3  }
0x150: {  	s15 =	simm.s32 $0x15100;
	v3 =	vperm.xlane v3, v2  }
0x151: {  	[tilespmem:s15], [sflag:$0x2] =	stream.indirect_vreg.gather [hbm4b:s2+s3], $0x80, v4, vm0, $0xb8;
	[tilespmem:$0x18100] =	vst v63  }
0x152: {  	s8 =	simm.s32 $0x15900;
	v3 =	vadd.s32 v1, v3  }
0x153: {  	[tilespmem:s8], [sflag:$0x2] =	stream.indirect_vreg.gather [hbm4b:s5+s3], $0x80, v4, vm0, $0xb8;
	[tilespmem:$0x18100] =	vst v63  }
0x154: {  	s12 =	simm.s32 $0x16100  }
0x155: {  	[tilespmem:s12], [sflag:$0x2] =	stream.indirect_vreg.gather [hbm4b:s6+s3], $0x80, v4, vm0, $0xb8;
	[tilespmem:$0x18100] =	vst v63  }
0x156: {  	s15 =	simm.s32 $0x16900  }
0x157: {  	[tilespmem:s15], [sflag:$0x2] =	stream.indirect_vreg.gather [hbm4b:s2+s3], $0x80, v3, vm0, $0xb8;
	[tilespmem:$0x18100] =	vst v63  }
0x158: {  	s8 =	simm.s32 $0x17100  }
0x159: {  	[tilespmem:s8], [sflag:$0x2] =	stream.indirect_vreg.gather [hbm4b:s5+s3], $0x80, v3, vm0, $0xb8;
	[tilespmem:$0x18100] =	vst v63  }
0x15a: {  	s12 =	simm.s32 $0x17900  }
0x15b: {  	[tilespmem:s12], [sflag:$0x2] =	stream.indirect_vreg.gather [hbm4b:s6+s3], $0x80, v3, vm0, $0xb8;
	[tilespmem:$0x18100] =	vst v63  }
0x15c: {  	s15 =	rddreg [dreg:$0x5];
	s8 =	simm.s32 $0x100  }
0x15d: {  	[hbm4b:s15+s3] =	stream.linear.scatter [tilespmem:s8], [sflag:$0x3], $0xC000, $0x38;
	[tilespmem:$0x18100] =	vst v63  }
0x15e: {  	_ =	swait.ge [sflag:s4], $0xC000  }
0x15f: {  	[sflag:s4] =	ssyncset.done $0x0  }
0x160: {  	[sflag:s4] =	ssyncadd.s32 $0xFFFF4000  }
0x161: {  	_ =	swait.ge [sflag:s13], $0xC000  }
0x162: {  	p0 =	sne.s32 s7, $0x1;
	[sflag:s13] =	ssyncset.done $0x0  }
.Ltmp0:
0x163: {  	s12 =	rddreg [dreg:$0x6];
	[sflag:s13] =	ssyncadd.s32 $0xFFFF4000;
	(pc) =	sbr.rel @p0 .LBB2_1-.Ltmp0, $4  }
0x164: {  	[hbm4b:s12+s3] =	stream.linear.scatter [tilespmem:s1], [sflag:$0x4], $0xC000, $0x38;
	[tilespmem:$0x18100] =	vst v63  }
0x165: {  	_ =	swait.ge [sflag:s14], $0xC000  }
0x166: {  	[sflag:s14] =	ssyncset.done $0x0  }
0x167: {  	s7 =	sadd.s32 $0xFFFFFFFF, s7;
	[sflag:s14] =	ssyncadd.s32 $0xFFFF4000  }
0x168: {  	_ =	sfence.sel $0x180000  }
0x169: {  	[bflag:$0x0] =	sbarrier.arrive $0xFFFF  }
0x16a: {  	_ =	strace $0x90000047  }
0x16b: {  	s0 =	stileid.u32;
	[bflag:$0x2] =	sbarrier.arrive $0xFFFF  }
0x16c: {  	p0 =	sne.s32 s0, $0x0;
	s0 =	rddreg [dreg:$0x2]  }
0x16d: {  	s0 =	sadd.s32 @!p0 $0x100000, s0  }
0x16e: {  	[sflag:s0] =	ssyncadd.tile.s32 @!p0 $0x1;
	_ =	shalt  }
.Lfunc_end2:
_tile_overlayer_lowered:
.L_overlay_start_2:
0x16f: {  	(tag) =	ssettag $0x2  }
0x170: {  	s0 =	rddreg [dreg:$0x0];
	s2 =	stileid.u32  }
0x171: {  	s1 =	rddreg [dreg:$0x1];
	p0 =	sne.s32 s2, $0x0  }
0x172: {  	s3 =	rddreg [dreg:$0x2];
	[bflag:$0x3] =	sbarrier.arrive $0xFFFF;
	s2 =	simm.s32 @!p0 $0x1C05  }
0x173: {  	[timem:s3], [sflag:s2] =	dma.local @!p0 [hbm:s0], s1  }
0x174: {  	s0 =	simm.s32 @!p0 $0x5  }
0x175: {  	_ =	swait.ge @!p0 [sflag:s0], s1  }
0x176: {  	s1 =	ssub.s32 @!p0 $0x0, s1;
	[sflag:s0] =	ssyncset.done @!p0 $0x0  }
0x177: {  	[sflag:s0] =	ssyncadd.s32 @!p0 s1  }
0x178: {  	[bflag:$0x3] =	sbarrier.arrive $0xFFFF  }
0x179: {  	_ =	shalt  }

// kernel: kernel.9.cloned.1.call-start
scs
__scs_entry_jumppad:
0x0: {  	(pc) =	sbr.rel $0x88, $3  }
0x1: {  	(tag) =	ssettag $0x0;
	lr =	simm.s32 $0x1  }
0x2: {  	[smem:$0x3F9A] =	sst lr;
	_ =	strace $0xD0000000  }
0x3: {  	_ = 	snop  }
0x4: {  	_ = 	snop  }
0x5: {  	_ = 	snop  }
0x6: {  	_ = 	snop  }
0x7: {  	_ = 	snop  }
__scs_overlays_trampoline_lowered:
0x8: {  	[smem:$0x3FA9] =	sst s0  }
0x9: {  	[smem:$0x3FAA] =	sst s1  }
0xa: {  	[smem:$0x3FAB] =	sst s2  }
0xb: {  	[smem:$0x3FAC] =	sst s3  }
0xc: {  	[smem:$0x3FAD] =	sst s4  }
0xd: {  	[smem:$0x3FAE] =	sst s5  }
0xe: {  	[smem:$0x3FAF] =	sst s6  }
0xf: {  	[smem:$0x3FB0] =	sst s7  }
0x10: {  	[smem:$0x3FB1] =	sst s8  }
0x11: {  	[smem:$0x3FB2] =	sst s9;
	s0 =	simm.s32 @!p0 $0x0  }
0x12: {  	s1 =	sld [smem:$0x3F98];
	s0 =	simm.s32 @p0 $0x1  }
0x13: {  	[smem:$0x3FB3] =	sst s0;
	s0 =	simm.s32 @!p1 $0x0  }
0x14: {  	s2 =	sld [smem:$0x3F97];
	s0 =	simm.s32 @p1 $0x1  }
0x15: {  	[smem:$0x3FB4] =	sst s0;
	s0 =	simm.s32 @!p2 $0x0  }
0x16: {  	s3 =	sld [smem:$0x3FDB];
	s0 =	simm.s32 @p2 $0x1  }
0x17: {  	s4 =	simm.s32 $0x1BF5;
	[smem:$0x3FB6] =	sst s0  }
0x18: {  	s0 =	sld [smem:$0x3F99];
	_ =	swait.ge [sflag:s4], $0x0  }
0x19: {  	s7 =	sld [smem:$0x3F9A]  }
0x1a: {  	s8 =	sadd.s32 $0xFFFFE003, lr  }
0x1b: {  	s9 =	sadd.s32 $0xFFFFFEF7, lr;
	s5 =	simm.s32 $0xFFFFFFFF;
	p2 =	slt.u32 s8, $0xFFFFF086  }
0x1c: {  	p1 =	slt.u32 s9, $0xF7A;
	s5 =	simm.s32 @!p2 $0x0  }
0x1d: {  	s5 =	simm.s32 @p1 $0x1;
	p0 =	seq.s32 s7, s2  }
0x1e: {  	s7 =	smul.u32 @!p0 $0xF7A, s2;
	p2 =	seq.s32 @!p0 s5, $0x0  }
0x1f: {  	s9 =	smul.u32 $0xF7A, s1;
	s8 =	simm.s32 @!p0 $0x1BF5;
	p2 =	por !p2, p0  }
0x20: {  	[sflag:s8] =	ssyncset.s32 @!p0 $0xFFFFF086;
	s6 =	sadd.s32 @!p0 s3, s7;
	s7 =	simm.s32 @!p0 $0x108  }
0x21: {  	s3 =	sadd.s32 s3, s9;
	s6 =	sadd.s32 @!p0 $0x88, s6;
	s7 =	simm.s32 @p2 $0x1082  }
0x22: {  	[simem:s7], [sflag:s8] =	dma.local @!p0 [hbm:s6], $0xF7A  }
0x23: {  	s9 =	sor.u32 $0xD0000000, s2;
	s6 =	simm.s32 $0x108;
	_ =	swait.ge @!p0 [sflag:s8], $0x0  }
0x24: {  	s3 =	sadd.s32 $0x88, s3;
	s6 =	simm.s32 @!p1 $0x1082;
	[sflag:s4] =	ssyncset.s32 $0xFFFFF086  }
0x25: {  	[simem:s6], [sflag:s4] =	dma.local [hbm:s3], $0xF7A  }
0x26: {  	[smem:$0x3F9A] =	sst s1;
	(tag) =	ssettag s2;
	_ =	strace s9  }
0x27: {  	s1 =	sld [smem:$0x3FAA]  }
0x28: {  	s2 =	sld [smem:$0x3FAB]  }
0x29: {  	s4 =	sld [smem:$0x3FAD]  }
0x2a: {  	p0 =	seq.s32 s5, $0x0;
	s5 =	sld [smem:$0x3FAE]  }
0x2b: {  	s6 =	sld [smem:$0x3FAF]  }
0x2c: {  	s7 =	sld [smem:$0x3FB0]  }
0x2d: {  	s3 =	simm.s32 $0x108;
	s8 =	sld [smem:$0x3FB1]  }
0x2e: {  	s3 =	simm.s32 @!p0 $0x1082;
	s9 =	sld [smem:$0x3FB2]  }
0x2f: {  	lr =	sadd.s32 s0, s3;
	s0 =	sld [smem:$0x3FA9]  }
0x30: {  	s3 =	sld [smem:$0x3FAC]  }
0x31: {  	[smem:$0x3FB5] =	sst s10  }
0x32: {  	s10 =	sld [smem:$0x3FB3];
	_ =	sdelay $0x3  }
0x33: {  	p0 =	seq.s32 s10, $0x1;
	s10 =	sld [smem:$0x3FB5];
	_ =	sdelay $0x3  }
0x34: {  	[smem:$0x3FB5] =	sst s10  }
0x35: {  	s10 =	sld [smem:$0x3FB4];
	_ =	sdelay $0x3  }
0x36: {  	p1 =	seq.s32 s10, $0x1;
	s10 =	sld [smem:$0x3FB5];
	_ =	sdelay $0x3  }
0x37: {  	[smem:$0x3FB5] =	sst s10  }
0x38: {  	s10 =	sld [smem:$0x3FB6]  }
0x39: {  	_ = 	snop;
	(pc) =	sbr.ind lr, $3  }
0x3a: {  	_ = 	snop  }
0x3b: {  	_ = 	snop  }
0x3c: {  	p2 =	seq.s32 s10, $0x1;
	s10 =	sld [smem:$0x3FB5]  }
0x3d: {  	_ =	shalt  }
0x3e: {  	_ =	shalt  }
0x3f: {  	_ =	shalt  }
0x40: {  	_ =	shalt  }
0x41: {  	_ =	shalt  }
0x42: {  	_ =	shalt  }
0x43: {  	_ =	shalt  }
0x44: {  	_ =	shalt  }
0x45: {  	_ =	shalt  }
0x46: {  	_ =	shalt  }
0x47: {  	_ =	shalt  }
0x48: {  	_ =	shalt  }
0x49: {  	_ =	shalt  }
0x4a: {  	_ =	shalt  }
0x4b: {  	_ =	shalt  }
0x4c: {  	_ =	shalt  }
0x4d: {  	_ =	shalt  }
0x4e: {  	_ =	shalt  }
0x4f: {  	_ =	shalt  }
0x50: {  	_ =	shalt  }
0x51: {  	_ =	shalt  }
0x52: {  	_ =	shalt  }
0x53: {  	_ =	shalt  }
0x54: {  	_ =	shalt  }
0x55: {  	_ =	shalt  }
0x56: {  	_ =	shalt  }
0x57: {  	_ =	shalt  }
0x58: {  	_ =	shalt  }
0x59: {  	_ =	shalt  }
0x5a: {  	_ =	shalt  }
0x5b: {  	_ =	shalt  }
0x5c: {  	_ =	shalt  }
0x5d: {  	_ =	shalt  }
0x5e: {  	_ =	shalt  }
0x5f: {  	_ =	shalt  }
0x60: {  	_ =	shalt  }
0x61: {  	_ =	shalt  }
0x62: {  	_ =	shalt  }
0x63: {  	_ =	shalt  }
0x64: {  	_ =	shalt  }
0x65: {  	_ =	shalt  }
0x66: {  	_ =	shalt  }
0x67: {  	_ =	shalt  }
0x68: {  	_ =	shalt  }
0x69: {  	_ =	shalt  }
0x6a: {  	_ =	shalt  }
0x6b: {  	_ =	shalt  }
0x6c: {  	_ =	shalt  }
0x6d: {  	_ =	shalt  }
0x6e: {  	_ =	shalt  }
0x6f: {  	_ =	shalt  }
0x70: {  	_ =	shalt  }
0x71: {  	_ =	shalt  }
0x72: {  	_ =	shalt  }
0x73: {  	_ =	shalt  }
0x74: {  	_ =	shalt  }
0x75: {  	_ =	shalt  }
0x76: {  	_ =	shalt  }
0x77: {  	_ =	shalt  }
0x78: {  	_ =	shalt  }
0x79: {  	_ =	shalt  }
0x7a: {  	_ =	shalt  }
0x7b: {  	_ =	shalt  }
0x7c: {  	_ =	shalt  }
0x7d: {  	_ =	shalt  }
0x7e: {  	_ =	shalt  }
0x7f: {  	_ =	shalt  }
0x80: {  	_ =	shalt  }
0x81: {  	_ =	shalt  }
0x82: {  	_ =	shalt  }
0x83: {  	_ =	shalt  }
0x84: {  	_ =	shalt  }
0x85: {  	_ =	shalt  }
0x86: {  	_ =	shalt  }
0x87: {  	_ =	shalt  }
.Lfunc_end0:
.L_simem_size_0:
called_computation.1_lowered:
.L_overlay_start_0:
0x88: {  	s2 =	sld [smem:$0x3FD9]  }
0x89: {  	s3 =	sld [smem:$0x3FFE];
	_ =	sdelay $0x1  }
0x8a: {  	s1 =	srdreg.scid  }
0x8b: {  	s0 =	sand.u32 $0x1, s1  }
0x8c: {  	s17 =	sshll.u32 s0, $0xA;
	s2 =	sadd.s32 s3, s2  }
0x8d: {  	s2 =	sadd.s32 s2, s17  }
0x8e: {  	[smem:$0x3FC1] =	sst s2  }
0x8f: {  	_ = 	snop  }
0x90: {  	s18 =	sld [smem:$0x3FC7];
	(tm) =	ssettm $0x1  }
0x91: {  	s19 =	sld [smem:$0x3FFB];
	_ =	sdelay $0x3  }
0x92: {  	_ =	strace s19  }
0x93: {  	s2 =	sld [smem:$0x3FFC];
	_ =	sdelay $0x3  }
0x94: {  	_ =	strace s2  }
0x95: {  	s2 =	sld [smem:$0x3FFD];
	_ =	sdelay $0x3  }
0x96: {  	_ =	strace s2  }
0x97: {  	_ =	strace $0x8FFFFFFF  }
0x98: {  	s20 =	sld [smem:$0x3FDB];
	_ =	sdelay $0x1  }
0x99: {  	s4 =	simm.s32 $_scs_section_size  }
0x9a: {  	s5 =	simm.s32 $_size__tile_overlayer_lowered;
	s6 =	simm.s32 $_tile_overlayer_lowered  }
0x9b: {  	s7 =	simm.s32 $0x1BFF;
	s21 =	sshll.u32 s6, $0x1;
	s4 =	sadd.s32 s4, s20  }
0x9c: {  	s22 =	simm.s32 $0x0;
	s5 =	sshll.u32 s5, $0x1;
	s6 =	sadd.s32 s21, s4  }
0x9d: {  	[timem:s22], [sflag:s7] =	dma.local [hbm:s6], s5  }
0x9e: {  	_ =	swait.ge [sflag:s7], s5  }
0x9f: {  	s5 =	ssub.s32 $0x0, s5;
	[sflag:s7] =	ssyncset.done $0x0  }
0xa0: {  	[sflag:s7] =	ssyncadd.s32 s5;
	_ =	sdelay $0x1  }
0xa1: {  	s23 =	simm.s32 $0x1B8B  }
0xa2: {  	_ =	swait.ge [sflag:s23], $0x1  }
0xa3: {  	[sflag:s23] =	ssyncset.done $0x0  }
0xa4: {  	[sflag:s23] =	ssyncadd.s32 $0xFFFFFFFF  }
0xa5: {  	s5 =	sld [smem:$0x0]  }
0xa6: {  	s6 =	sand.u32 $0xFFFFFFFE, s1  }
0xa7: {  	p0 =	sne.s32 s1, s6  }
0xa8: {  	s6 =	sshll.u32 @p0 s6, $0xE  }
0xa9: {  	s6 =	sadd.s32 @p0 $0x11B8D, s6;
	s7 =	sshll.u32 @p0 s5, $0x11  }
0xaa: {  	s6 =	sor.u32 @p0 s7, s6  }
0xab: {  	[sflag:s6] =	ssyncadd.remote.s32 @p0 $0x1;
	_ =	sdelay $0x1  }
0xac: {  	s6 =	simm.s32 @p0 $0x1B8D  }
0xad: {  	_ =	swait.eq @p0 [sflag:s6], $0x1  }
0xae: {  	[sflag:s6] =	ssyncadd.s32 @p0 $0xFFFFFFFF  }
0xaf: {  	s7 =	sshll.u32 @!p0 s1, $0xE  }
0xb0: {  	s7 =	sor.u32 @!p0 $0x4000, s7;
	s6 =	simm.s32 @!p0 $0x1B8D  }
0xb1: {  	s5 =	sshll.u32 @!p0 s5, $0x11;
	s7 =	sadd.s32 @!p0 $0x11B8D, s7;
	_ =	swait.eq @!p0 [sflag:s6], $0x1  }
0xb2: {  	s5 =	sor.u32 @!p0 s5, s7;
	[sflag:s6] =	ssyncadd.s32 @!p0 $0xFFFFFFFF  }
0xb3: {  	s25 =	simm.s32 $0x1B8E;
	s24 =	sld [smem:$0x3FFE];
	[sflag:s5] =	ssyncadd.remote.s32 @!p0 $0x1  }
0xb4: {  	s26 =	simm.s32 $execute0_lowered;
	[smem:$0x3FD2] =	sst s25  }
0xb5: {  	s6 =	sshll.u32 s26, $0x1;
	_ =	strace $0x80000049;
	[dreg:$0x1] =	wrdreg $0xFFFFFFFF  }
0xb6: {  	s28 =	simm.s32 $_size_execute0_lowered;
	s4 =	sadd.s32 s4, s6;
	[dreg:$0x0] =	wrdreg $0x0  }
0xb7: {  	s6 =	sshll.u32 s28, $0x1;
	[dreg:$0x2] =	wrdreg s4  }
0xb8: {  	[dreg:$0x3] =	wrdreg s6  }
0xb9: {  	[dreg:$0x4] =	wrdreg $0xC0  }
0xba: {  	_ =	task [dreg:s22], $0x5FFFF  }
0xbb: {  	[dreg:$0x1] =	wrdreg $0xFFFFFFFF  }
0xbc: {  	[dreg:$0x0] =	wrdreg $0x60  }
0xbd: {  	[dreg:$0x2] =	wrdreg s18  }
0xbe: {  	[dreg:$0x3] =	wrdreg s24  }
0xbf: {  	[dreg:$0x4] =	wrdreg $0xA  }
0xc0: {  	_ =	task.clear_ibuf [dreg:s22], $0x5FFFF;
	_ =	strace $0x90000049  }
0xc1: {  	s29 =	simm.s32 $0xA;
	_ =	strace $0x8000004B  }
0xc2: {  	_ =	swait.ge [sflag:s29], $0x1  }
0xc3: {  	[sflag:s29] =	ssyncadd.s32 $0xFFFFFFFF  }
0xc4: {  	_ =	strace $0x9000004B  }
0xc5: {  	_ =	sfence  }
0xc6: {  	s30 =	sld [smem:$0x0];
	_ =	sdelay $0x2  }
0xc7: {  	s31 =	sshll.u32 s1, $0xD;
	s1 =	sshrl.u32 s1, $0x2  }
0xc8: {  	s4 =	sand.u32 $0x4000, s31;
	s1 =	sadd.s32 s1, s30  }
0xc9: {  	s0 =	sor.u32 s4, s0;
	s1 =	sshll.u32 s1, $0x11  }
0xca: {  	s0 =	sor.u32 s1, s0  }
0xcb: {  	s0 =	sadd.s32 $0x8F2B, s0  }
0xcc: {  	[sflag:s0] =	ssyncadd.remote.s32 $0x1  }
0xcd: {  	_ =	sfence.sel $0xFFFF  }
0xce: {  	[dreg:$0x0] =	wrdreg $0xFFFFFFFF;
	(pc) =	sbr.abs _section_cstart, $3  }
0xcf: {  	[dreg:$0x1] =	wrdreg $0xFFFFFFFF  }
0xd0: {  	_ =	task.clear_ibuf [dreg:s22], $0x2FFFF;
	_ =	strace $0x9FFFFFFF  }
0xd1: {  	(tm) =	ssettm $0x7FFFFFFF  }
tec
execute0_lowered:
.L_overlay_start_1:
0x0: {  	(tag) =	ssettag $0x1  }
0x1: {  	s0 =	srdreg.scid;
	s2 =	rddreg [dreg:$0x0]  }
0x2: {  	s3 =	stileid.u32;
	s1 =	rddreg [dreg:$0x1]  }
0x3: {  	s13 =	simm.s32 $0x3;
	s14 =	simm.s32 $0x4;
	s16 =	simm.s32 $0x900  }
0x4: {  	s17 =	simm.s32 $0x1100;
	s18 =	simm.s32 $0x1900;
	s19 =	simm.s32 $0x2100  }
0x5: {  	s20 =	simm.s32 $0x2900;
	s21 =	simm.s32 $0x3100;
	s22 =	simm.s32 $0x3900  }
0x6: {  	s28 =	simm.s32 $0x6100;
	s29 =	simm.s32 $0x6900;
	s30 =	simm.s32 $0x7100  }
0x7: {  	s31 =	simm.s32 $0x7900;
	s11 =	simm.s32 $0x9100;
	s0 =	sand.u32 $0x1, s0  }
0x8: {  	s9 =	simm.s32 $0xA100;
	s4 =	sshll.u32 s3, $0x6;
	s5 =	sshll.u32 s0, $0x5  }
0x9: {  	s10 =	simm.s32 $0xB100;
	s3 =	simm.s32 $0x0;
	s4 =	sor.u32 s5, s4  }
0xa: {  	[smem:$0x7FF] =	sst s3;
	s0 =	ssub.s32 $0x2, s0;
	s5 =	smul.u32 $0x300, s4  }
0xb: {  	_ =	strace $0x8000004A;
	s25 =	sshrl.u32 s0, $0x1;
	s6 =	smul.u32 $0x1800, s4  }
0xc: {  	s4 =	sadd.s32 s4, s1;
	s1 =	sadd.s32 $0xC1A00, s1;
	s0 =	ssub.s32 s0, s25  }
0xd: {  	s25 =	simm.s32 $0x5100;
	s4 =	sadd.s32 $0x1600, s4;
	s7 =	sadd.s32 s1, s5  }
0xe: {  	s23 =	sshrl.u32 s6, $0x3;
	[dreg:$0x3] =	wrdreg s4;
	s5 =	sadd.s32 $0x100, s2  }
0xf: {  	s6 =	sadd.s32 $0x200, s2;
	s4 =	simm.s32 $0x2;
	[dreg:$0x7] =	wrdreg s7  }
0x10: {  	s24 =	sadd.s32 $0x1800, s7;
	s1 =	sadd.s32 s1, s23;
	s7 =	smax.u32 s0, $0x1  }
0x11: {  	v2 =	vlaneseq.u32;
	s23 =	simm.s32 $0x4100;
	[dreg:$0x4] =	wrdreg s24;
	s26 =	sadd.s32 $0x3000, s1  }
0x12: {  	vm0 =	vmmov $0xffff;
	v1 =	vshrl.u32 v2, $0x3;
	s1 =	sadd.s32 $0x4800, s1;
	s24 =	simm.s32 $0x4900;
	[dreg:$0x5] =	wrdreg s26  }
0x13: {  	v0 =	vand.u32 $0x7, v2;
	v2 =	vor.u32 $0x8, v2;
	v1 =	vmul.u32 $0x8, v1;
	[dreg:$0x6] =	wrdreg s1;
	s26 =	simm.s32 $0x5900;
	s1 =	simm.s32 $0xC100  }
.LBB2_1:
0x14: {  	s15 =	rddreg [dreg:$0x3];
	s0 =	simm.s32 $0x5  }
0x15: {  	[tilespmem:s3], [sflag:$0x5] =	stream.linear.gather [hbm4b:s15+s3], $0x100, $0x38;
	[tilespmem:$0x18100] =	vst v63  }
0x16: {  	_ =	swait.ge [sflag:s0], $0x100  }
0x17: {  	[sflag:s0] =	ssyncset.done $0x0  }
0x18: {  	[sflag:s0] =	ssyncadd.s32 $0xFFFFFF00  }
0x19: {  	v3 =	vld [tilespmem:$0x0];
	_ =	sdelay $0x4  }
0x1a: {  	v4 =	vshrl.u32 v3, $0x3  }
0x1b: {  	v4 =	vmul.u32 $0x30, v4  }
0x1c: {  	v3 =	vand.u32 $0x7, v3  }
0x1d: {  	v3 =	vor.u32 v3, v4  }
0x1e: {  	v4 =	vperm.xlane v3, v0;
	_ =	sdelay $0x1  }
0x1f: {  	v4 =	vadd.s32 v1, v4;
	_ =	sdelay $0x3  }
0x20: {  	s15 =	simm.s32 $0x100;
	v3 =	vperm.xlane v3, v2  }
0x21: {  	[tilespmem:s15], [sflag:$0x1] =	stream.indirect_vreg.gather [hbm4b:s2+s3], $0x80, v4, vm0, $0xb8;
	[tilespmem:$0x18100] =	vst v63  }
0x22: {  	v3 =	vadd.s32 v1, v3  }
0x23: {  	[tilespmem:s16], [sflag:$0x1] =	stream.indirect_vreg.gather [hbm4b:s5+s3], $0x80, v4, vm0, $0xb8;
	[tilespmem:$0x18100] =	vst v63  }
0x24: {  	_ = 	snop  }
0x25: {  	[tilespmem:s17], [sflag:$0x1] =	stream.indirect_vreg.gather [hbm4b:s6+s3], $0x80, v4, vm0, $0xb8;
	[tilespmem:$0x18100] =	vst v63  }
0x26: {  	_ = 	snop  }
0x27: {  	[tilespmem:s18], [sflag:$0x1] =	stream.indirect_vreg.gather [hbm4b:s2+s3], $0x80, v3, vm0, $0xb8;
	[tilespmem:$0x18100] =	vst v63  }
0x28: {  	_ = 	snop  }
0x29: {  	[tilespmem:s19], [sflag:$0x1] =	stream.indirect_vreg.gather [hbm4b:s5+s3], $0x80, v3, vm0, $0xb8;
	[tilespmem:$0x18100] =	vst v63  }
0x2a: {  	_ = 	snop  }
0x2b: {  	[tilespmem:s20], [sflag:$0x1] =	stream.indirect_vreg.gather [hbm4b:s6+s3], $0x80, v3, vm0, $0xb8;
	[tilespmem:$0x18100] =	vst v63  }
0x2c: {  	v3 =	vld [tilespmem:$0x10];
	_ =	sdelay $0x4  }
0x2d: {  	v49 =	vshrl.u32 v3, $0x3  }
0x2e: {  	v4 =	vmul.u32 $0x30, v49  }
0x2f: {  	v3 =	vand.u32 $0x7, v3  }
0x30: {  	v3 =	vor.u32 v3, v4  }
0x31: {  	v4 =	vperm.xlane v3, v0;
	_ =	sdelay $0x1  }
0x32: {  	v4 =	vadd.s32 v1, v4;
	_ =	sdelay $0x3  }
0x33: {  	v3 =	vperm.xlane v3, v2  }
0x34: {  	[tilespmem:s21], [sflag:$0x1] =	stream.indirect_vreg.gather [hbm4b:s2+s3], $0x80, v4, vm0, $0xb8;
	[tilespmem:$0x18100] =	vst v63  }
0x35: {  	v3 =	vadd.s32 v1, v3  }
0x36: {  	[tilespmem:s22], [sflag:$0x1] =	stream.indirect_vreg.gather [hbm4b:s5+s3], $0x80, v4, vm0, $0xb8;
	[tilespmem:$0x18100] =	vst v63  }
0x37: {  	_ = 	snop  }
0x38: {  	[tilespmem:s23], [sflag:$0x1] =	stream.indirect_vreg.gather [hbm4b:s6+s3], $0x80, v4, vm0, $0xb8;
	[tilespmem:$0x18100] =	vst v63  }
0x39: {  	_ = 	snop  }
0x3a: {  	[tilespmem:s24], [sflag:$0x1] =	stream.indirect_vreg.gather [hbm4b:s2+s3], $0x80, v3, vm0, $0xb8;
	[tilespmem:$0x18100] =	vst v63  }
0x3b: {  	_ = 	snop  }
0x3c: {  	[tilespmem:s25], [sflag:$0x1] =	stream.indirect_vreg.gather [hbm4b:s5+s3], $0x80, v3, vm0, $0xb8;
	[tilespmem:$0x18100] =	vst v63  }
0x3d: {  	_ = 	snop  }
0x3e: {  	[tilespmem:s26], [sflag:$0x1] =	stream.indirect_vreg.gather [hbm4b:s6+s3], $0x80, v3, vm0, $0xb8;
	[tilespmem:$0x18100] =	vst v63  }
0x3f: {  	v3 =	vld [tilespmem:$0x20];
	_ =	sdelay $0x4  }
0x40: {  	v50 =	vshrl.u32 v3, $0x3  }
0x41: {  	v4 =	vmul.u32 $0x30, v50  }
0x42: {  	v3 =	vand.u32 $0x7, v3  }
0x43: {  	v3 =	vor.u32 v3, v4  }
0x44: {  	v4 =	vperm.xlane v3, v0;
	_ =	sdelay $0x1  }
0x45: {  	v4 =	vadd.s32 v1, v4;
	_ =	sdelay $0x3  }
0x46: {  	v3 =	vperm.xlane v3, v2  }
0x47: {  	[tilespmem:s28], [sflag:$0x1] =	stream.indirect_vreg.gather [hbm4b:s2+s3], $0x80, v4, vm0, $0xb8;
	[tilespmem:$0x18100] =	vst v63  }
0x48: {  	v3 =	vadd.s32 v1, v3  }
0x49: {  	[tilespmem:s29], [sflag:$0x1] =	stream.indirect_vreg.gather [hbm4b:s5+s3], $0x80, v4, vm0, $0xb8;
	[tilespmem:$0x18100] =	vst v63  }
0x4a: {  	_ = 	snop  }
0x4b: {  	[tilespmem:s30], [sflag:$0x1] =	stream.indirect_vreg.gather [hbm4b:s6+s3], $0x80, v4, vm0, $0xb8;
	[tilespmem:$0x18100] =	vst v63  }
0x4c: {  	_ = 	snop  }
0x4d: {  	[tilespmem:s31], [sflag:$0x1] =	stream.indirect_vreg.gather [hbm4b:s2+s3], $0x80, v3, vm0, $0xb8;
	[tilespmem:$0x18100] =	vst v63  }
0x4e: {  	s8 =	simm.s32 $0x8100  }
0x4f: {  	[tilespmem:s8], [sflag:$0x1] =	stream.indirect_vreg.gather [hbm4b:s5+s3], $0x80, v3, vm0, $0xb8;
	[tilespmem:$0x18100] =	vst v63  }
0x50: {  	s12 =	simm.s32 $0x8900  }
0x51: {  	[tilespmem:s12], [sflag:$0x1] =	stream.indirect_vreg.gather [hbm4b:s6+s3], $0x80, v3, vm0, $0xb8;
	[tilespmem:$0x18100] =	vst v63  }
0x52: {  	v3 =	vld [tilespmem:$0x30];
	_ =	sdelay $0x4  }
0x53: {  	v51 =	vshrl.u32 v3, $0x3  }
0x54: {  	v4 =	vmul.u32 $0x30, v51  }
0x55: {  	v3 =	vand.u32 $0x7, v3  }
0x56: {  	v3 =	vor.u32 v3, v4  }
0x57: {  	v4 =	vperm.xlane v3, v0;
	_ =	sdelay $0x1  }
0x58: {  	v4 =	vadd.s32 v1, v4;
	_ =	sdelay $0x3  }
0x59: {  	v3 =	vperm.xlane v3, v2  }
0x5a: {  	[tilespmem:s11], [sflag:$0x1] =	stream.indirect_vreg.gather [hbm4b:s2+s3], $0x80, v4, vm0, $0xb8;
	[tilespmem:$0x18100] =	vst v63  }
0x5b: {  	s8 =	simm.s32 $0x9900;
	v3 =	vadd.s32 v1, v3  }
0x5c: {  	[tilespmem:s8], [sflag:$0x1] =	stream.indirect_vreg.gather [hbm4b:s5+s3], $0x80, v4, vm0, $0xb8;
	[tilespmem:$0x18100] =	vst v63  }
0x5d: {  	_ = 	snop  }
0x5e: {  	[tilespmem:s9], [sflag:$0x1] =	stream.indirect_vreg.gather [hbm4b:s6+s3], $0x80, v4, vm0, $0xb8;
	[tilespmem:$0x18100] =	vst v63  }
0x5f: {  	s15 =	simm.s32 $0xA900  }
0x60: {  	[tilespmem:s15], [sflag:$0x1] =	stream.indirect_vreg.gather [hbm4b:s2+s3], $0x80, v3, vm0, $0xb8;
	[tilespmem:$0x18100] =	vst v63  }
0x61: {  	_ = 	snop  }
0x62: {  	[tilespmem:s10], [sflag:$0x1] =	stream.indirect_vreg.gather [hbm4b:s5+s3], $0x80, v3, vm0, $0xb8;
	[tilespmem:$0x18100] =	vst v63  }
0x63: {  	s0 =	simm.s32 $0x1;
	s12 =	simm.s32 $0xB900  }
0x64: {  	[tilespmem:s12], [sflag:$0x1] =	stream.indirect_vreg.gather [hbm4b:s6+s3], $0x80, v3, vm0, $0xb8;
	[tilespmem:$0x18100] =	vst v63  }
0x65: {  	_ =	swait.ge [sflag:s0], $0xC000  }
0x66: {  	[sflag:s0] =	ssyncset.done $0x0  }
0x67: {  	[sflag:s0] =	ssyncadd.s32 $0xFFFF4000  }
0x68: {  	v3 =	vld [tilespmem:$0x40];
	_ =	sdelay $0x4  }
0x69: {  	v52 =	vshrl.u32 v3, $0x3  }
0x6a: {  	v4 =	vmul.u32 $0x30, v52  }
0x6b: {  	v3 =	vand.u32 $0x7, v3  }
0x6c: {  	v3 =	vor.u32 v3, v4  }
0x6d: {  	v4 =	vperm.xlane v3, v0;
	_ =	sdelay $0x1  }
0x6e: {  	v4 =	vadd.s32 v1, v4;
	_ =	sdelay $0x3  }
0x6f: {  	v3 =	vperm.xlane v3, v2  }
0x70: {  	[tilespmem:s1], [sflag:$0x2] =	stream.indirect_vreg.gather [hbm4b:s2+s3], $0x80, v4, vm0, $0xb8;
	[tilespmem:$0x18100] =	vst v63  }
0x71: {  	s12 =	simm.s32 $0xC900;
	v3 =	vadd.s32 v1, v3  }
0x72: {  	[tilespmem:s12], [sflag:$0x2] =	stream.indirect_vreg.gather [hbm4b:s5+s3], $0x80, v4, vm0, $0xb8;
	[tilespmem:$0x18100] =	vst v63  }
0x73: {  	s15 =	simm.s32 $0xD100  }
0x74: {  	[tilespmem:s15], [sflag:$0x2] =	stream.indirect_vreg.gather [hbm4b:s6+s3], $0x80, v4, vm0, $0xb8;
	[tilespmem:$0x18100] =	vst v63  }
0x75: {  	s15 =	simm.s32 $0xD900  }
0x76: {  	[tilespmem:s15], [sflag:$0x2] =	stream.indirect_vreg.gather [hbm4b:s2+s3], $0x80, v3, vm0, $0xb8;
	[tilespmem:$0x18100] =	vst v63  }
0x77: {  	s15 =	simm.s32 $0xE100  }
0x78: {  	[tilespmem:s15], [sflag:$0x2] =	stream.indirect_vreg.gather [hbm4b:s5+s3], $0x80, v3, vm0, $0xb8;
	[tilespmem:$0x18100] =	vst v63  }
0x79: {  	s15 =	simm.s32 $0xE900  }
0x7a: {  	[tilespmem:s15], [sflag:$0x2] =	stream.indirect_vreg.gather [hbm4b:s6+s3], $0x80, v3, vm0, $0xb8;
	[tilespmem:$0x18100] =	vst v63  }
0x7b: {  	v3 =	vld [tilespmem:$0x50];
	_ =	sdelay $0x4  }
0x7c: {  	v53 =	vshrl.u32 v3, $0x3  }
0x7d: {  	v4 =	vmul.u32 $0x30, v53  }
0x7e: {  	v3 =	vand.u32 $0x7, v3  }
0x7f: {  	v3 =	vor.u32 v3, v4  }
0x80: {  	v4 =	vperm.xlane v3, v0;
	_ =	sdelay $0x1  }
0x81: {  	v4 =	vadd.s32 v1, v4;
	_ =	sdelay $0x3  }
0x82: {  	s15 =	simm.s32 $0xF100;
	v3 =	vperm.xlane v3, v2  }
0x83: {  	[tilespmem:s15], [sflag:$0x2] =	stream.indirect_vreg.gather [hbm4b:s2+s3], $0x80, v4, vm0, $0xb8;
	[tilespmem:$0x18100] =	vst v63  }
0x84: {  	v3 =	vadd.s32 v1, v3;
	s15 =	simm.s32 $0xF900  }
0x85: {  	[tilespmem:s15], [sflag:$0x2] =	stream.indirect_vreg.gather [hbm4b:s5+s3], $0x80, v4, vm0, $0xb8;
	[tilespmem:$0x18100] =	vst v63  }
0x86: {  	s15 =	simm.s32 $0x10100  }
0x87: {  	[tilespmem:s15], [sflag:$0x2] =	stream.indirect_vreg.gather [hbm4b:s6+s3], $0x80, v4, vm0, $0xb8;
	[tilespmem:$0x18100] =	vst v63  }
0x88: {  	s15 =	simm.s32 $0x10900  }
0x89: {  	[tilespmem:s15], [sflag:$0x2] =	stream.indirect_vreg.gather [hbm4b:s2+s3], $0x80, v3, vm0, $0xb8;
	[tilespmem:$0x18100] =	vst v63  }
0x8a: {  	s15 =	simm.s32 $0x11100  }
0x8b: {  	[tilespmem:s15], [sflag:$0x2] =	stream.indirect_vreg.gather [hbm4b:s5+s3], $0x80, v3, vm0, $0xb8;
	[tilespmem:$0x18100] =	vst v63  }
0x8c: {  	s15 =	simm.s32 $0x11900  }
0x8d: {  	[tilespmem:s15], [sflag:$0x2] =	stream.indirect_vreg.gather [hbm4b:s6+s3], $0x80, v3, vm0, $0xb8;
	[tilespmem:$0x18100] =	vst v63  }
0x8e: {  	v3 =	vld [tilespmem:$0x60];
	_ =	sdelay $0x4  }
0x8f: {  	v54 =	vshrl.u32 v3, $0x3  }
0x90: {  	v4 =	vmul.u32 $0x30, v54  }
0x91: {  	v3 =	vand.u32 $0x7, v3  }
0x92: {  	v3 =	vor.u32 v3, v4  }
0x93: {  	v4 =	vperm.xlane v3, v0;
	_ =	sdelay $0x1  }
0x94: {  	v4 =	vadd.s32 v1, v4;
	_ =	sdelay $0x3  }
0x95: {  	s15 =	simm.s32 $0x12100;
	v3 =	vperm.xlane v3, v2  }
0x96: {  	[tilespmem:s15], [sflag:$0x2] =	stream.indirect_vreg.gather [hbm4b:s2+s3], $0x80, v4, vm0, $0xb8;
	[tilespmem:$0x18100] =	vst v63  }
0x97: {  	v3 =	vadd.s32 v1, v3;
	s15 =	simm.s32 $0x12900  }
0x98: {  	[tilespmem:s15], [sflag:$0x2] =	stream.indirect_vreg.gather [hbm4b:s5+s3], $0x80, v4, vm0, $0xb8;
	[tilespmem:$0x18100] =	vst v63  }
0x99: {  	s15 =	simm.s32 $0x13100  }
0x9a: {  	[tilespmem:s15], [sflag:$0x2] =	stream.indirect_vreg.gather [hbm4b:s6+s3], $0x80, v4, vm0, $0xb8;
	[tilespmem:$0x18100] =	vst v63  }
0x9b: {  	s15 =	simm.s32 $0x13900  }
0x9c: {  	[tilespmem:s15], [sflag:$0x2] =	stream.indirect_vreg.gather [hbm4b:s2+s3], $0x80, v3, vm0, $0xb8;
	[tilespmem:$0x18100] =	vst v63  }
0x9d: {  	s15 =	simm.s32 $0x14100  }
0x9e: {  	[tilespmem:s15], [sflag:$0x2] =	stream.indirect_vreg.gather [hbm4b:s5+s3], $0x80, v3, vm0, $0xb8;
	[tilespmem:$0x18100] =	vst v63  }
0x9f: {  	s15 =	simm.s32 $0x14900  }
0xa0: {  	[tilespmem:s15], [sflag:$0x2] =	stream.indirect_vreg.gather [hbm4b:s6+s3], $0x80, v3, vm0, $0xb8;
	[tilespmem:$0x18100] =	vst v63  }
0xa1: {  	v3 =	vld [tilespmem:$0x70];
	_ =	sdelay $0x4  }
0xa2: {  	v55 =	vshrl.u32 v3, $0x3  }
0xa3: {  	v4 =	vmul.u32 $0x30, v55  }
0xa4: {  	v3 =	vand.u32 $0x7, v3  }
0xa5: {  	v3 =	vor.u32 v3, v4  }
0xa6: {  	v4 =	vperm.xlane v3, v0;
	_ =	sdelay $0x1  }
0xa7: {  	v4 =	vadd.s32 v1, v4;
	_ =	sdelay $0x3  }
0xa8: {  	s15 =	simm.s32 $0x15100;
	v3 =	vperm.xlane v3, v2  }
0xa9: {  	[tilespmem:s15], [sflag:$0x2] =	stream.indirect_vreg.gather [hbm4b:s2+s3], $0x80, v4, vm0, $0xb8;
	[tilespmem:$0x18100] =	vst v63  }
0xaa: {  	v3 =	vadd.s32 v1, v3;
	s15 =	simm.s32 $0x15900  }
0xab: {  	[tilespmem:s15], [sflag:$0x2] =	stream.indirect_vreg.gather [hbm4b:s5+s3], $0x80, v4, vm0, $0xb8;
	[tilespmem:$0x18100] =	vst v63  }
0xac: {  	s15 =	simm.s32 $0x16100  }
0xad: {  	[tilespmem:s15], [sflag:$0x2] =	stream.indirect_vreg.gather [hbm4b:s6+s3], $0x80, v4, vm0, $0xb8;
	[tilespmem:$0x18100] =	vst v63  }
0xae: {  	s15 =	simm.s32 $0x16900  }
0xaf: {  	[tilespmem:s15], [sflag:$0x2] =	stream.indirect_vreg.gather [hbm4b:s2+s3], $0x80, v3, vm0, $0xb8;
	[tilespmem:$0x18100] =	vst v63  }
0xb0: {  	s15 =	simm.s32 $0x17100  }
0xb1: {  	[tilespmem:s15], [sflag:$0x2] =	stream.indirect_vreg.gather [hbm4b:s5+s3], $0x80, v3, vm0, $0xb8;
	[tilespmem:$0x18100] =	vst v63  }
0xb2: {  	s15 =	simm.s32 $0x17900  }
0xb3: {  	[tilespmem:s15], [sflag:$0x2] =	stream.indirect_vreg.gather [hbm4b:s6+s3], $0x80, v3, vm0, $0xb8;
	[tilespmem:$0x18100] =	vst v63  }
0xb4: {  	s12 =	simm.s32 $0x100;
	s15 =	rddreg [dreg:$0x7]  }
0xb5: {  	[hbm4b:s15+s3] =	stream.linear.scatter [tilespmem:s12], [sflag:$0x3], $0xC000, $0x38;
	[tilespmem:$0x18100] =	vst v63  }
0xb6: {  	_ =	swait.ge [sflag:s4], $0xC000  }
0xb7: {  	[sflag:s4] =	ssyncset.done $0x0  }
0xb8: {  	[sflag:s4] =	ssyncadd.s32 $0xFFFF4000  }
0xb9: {  	_ =	swait.ge [sflag:s13], $0xC000  }
0xba: {  	[sflag:s13] =	ssyncset.done $0x0  }
0xbb: {  	[sflag:s13] =	ssyncadd.s32 $0xFFFF4000  }
0xbc: {  	v3 =	vld [tilespmem:$0x80];
	_ =	sdelay $0x4  }
0xbd: {  	v56 =	vshrl.u32 v3, $0x3  }
0xbe: {  	v4 =	vmul.u32 $0x30, v56  }
0xbf: {  	v3 =	vand.u32 $0x7, v3  }
0xc0: {  	v3 =	vor.u32 v3, v4  }
0xc1: {  	v4 =	vperm.xlane v3, v0;
	_ =	sdelay $0x1  }
0xc2: {  	v4 =	vadd.s32 v1, v4;
	_ =	sdelay $0x3  }
0xc3: {  	v3 =	vperm.xlane v3, v2  }
0xc4: {  	[tilespmem:s12], [sflag:$0x1] =	stream.indirect_vreg.gather [hbm4b:s2+s3], $0x80, v4, vm0, $0xb8;
	[tilespmem:$0x18100] =	vst v63  }
0xc5: {  	v3 =	vadd.s32 v1, v3  }
0xc6: {  	[tilespmem:s16], [sflag:$0x1] =	stream.indirect_vreg.gather [hbm4b:s5+s3], $0x80, v4, vm0, $0xb8;
	[tilespmem:$0x18100] =	vst v63  }
0xc7: {  	_ = 	snop  }
0xc8: {  	[tilespmem:s17], [sflag:$0x1] =	stream.indirect_vreg.gather [hbm4b:s6+s3], $0x80, v4, vm0, $0xb8;
	[tilespmem:$0x18100] =	vst v63  }
0xc9: {  	_ = 	snop  }
0xca: {  	[tilespmem:s18], [sflag:$0x1] =	stream.indirect_vreg.gather [hbm4b:s2+s3], $0x80, v3, vm0, $0xb8;
	[tilespmem:$0x18100] =	vst v63  }
0xcb: {  	_ = 	snop  }
0xcc: {  	[tilespmem:s19], [sflag:$0x1] =	stream.indirect_vreg.gather [hbm4b:s5+s3], $0x80, v3, vm0, $0xb8;
	[tilespmem:$0x18100] =	vst v63  }
0xcd: {  	_ = 	snop  }
0xce: {  	[tilespmem:s20], [sflag:$0x1] =	stream.indirect_vreg.gather [hbm4b:s6+s3], $0x80, v3, vm0, $0xb8;
	[tilespmem:$0x18100] =	vst v63  }
0xcf: {  	v3 =	vld [tilespmem:$0x90];
	_ =	sdelay $0x4  }
0xd0: {  	v57 =	vshrl.u32 v3, $0x3  }
0xd1: {  	v4 =	vmul.u32 $0x30, v57  }
0xd2: {  	v3 =	vand.u32 $0x7, v3  }
0xd3: {  	v3 =	vor.u32 v3, v4  }
0xd4: {  	v4 =	vperm.xlane v3, v0;
	_ =	sdelay $0x1  }
0xd5: {  	v4 =	vadd.s32 v1, v4;
	_ =	sdelay $0x3  }
0xd6: {  	v3 =	vperm.xlane v3, v2  }
0xd7: {  	[tilespmem:s21], [sflag:$0x1] =	stream.indirect_vreg.gather [hbm4b:s2+s3], $0x80, v4, vm0, $0xb8;
	[tilespmem:$0x18100] =	vst v63  }
0xd8: {  	v3 =	vadd.s32 v1, v3  }
0xd9: {  	[tilespmem:s22], [sflag:$0x1] =	stream.indirect_vreg.gather [hbm4b:s5+s3], $0x80, v4, vm0, $0xb8;
	[tilespmem:$0x18100] =	vst v63  }
0xda: {  	_ = 	snop  }
0xdb: {  	[tilespmem:s23], [sflag:$0x1] =	stream.indirect_vreg.gather [hbm4b:s6+s3], $0x80, v4, vm0, $0xb8;
	[tilespmem:$0x18100] =	vst v63  }
0xdc: {  	_ = 	snop  }
0xdd: {  	[tilespmem:s24], [sflag:$0x1] =	stream.indirect_vreg.gather [hbm4b:s2+s3], $0x80, v3, vm0, $0xb8;
	[tilespmem:$0x18100] =	vst v63  }
0xde: {  	_ = 	snop  }
0xdf: {  	[tilespmem:s25], [sflag:$0x1] =	stream.indirect_vreg.gather [hbm4b:s5+s3], $0x80, v3, vm0, $0xb8;
	[tilespmem:$0x18100] =	vst v63  }
0xe0: {  	_ = 	snop  }
0xe1: {  	[tilespmem:s26], [sflag:$0x1] =	stream.indirect_vreg.gather [hbm4b:s6+s3], $0x80, v3, vm0, $0xb8;
	[tilespmem:$0x18100] =	vst v63  }
0xe2: {  	v3 =	vld [tilespmem:$0xA0];
	_ =	sdelay $0x4  }
0xe3: {  	v58 =	vshrl.u32 v3, $0x3  }
0xe4: {  	v4 =	vmul.u32 $0x30, v58  }
0xe5: {  	v3 =	vand.u32 $0x7, v3  }
0xe6: {  	v3 =	vor.u32 v3, v4  }
0xe7: {  	v4 =	vperm.xlane v3, v0;
	_ =	sdelay $0x1  }
0xe8: {  	v4 =	vadd.s32 v1, v4;
	_ =	sdelay $0x3  }
0xe9: {  	v3 =	vperm.xlane v3, v2  }
0xea: {  	[tilespmem:s28], [sflag:$0x1] =	stream.indirect_vreg.gather [hbm4b:s2+s3], $0x80, v4, vm0, $0xb8;
	[tilespmem:$0x18100] =	vst v63  }
0xeb: {  	v3 =	vadd.s32 v1, v3  }
0xec: {  	[tilespmem:s29], [sflag:$0x1] =	stream.indirect_vreg.gather [hbm4b:s5+s3], $0x80, v4, vm0, $0xb8;
	[tilespmem:$0x18100] =	vst v63  }
0xed: {  	_ = 	snop  }
0xee: {  	[tilespmem:s30], [sflag:$0x1] =	stream.indirect_vreg.gather [hbm4b:s6+s3], $0x80, v4, vm0, $0xb8;
	[tilespmem:$0x18100] =	vst v63  }
0xef: {  	_ = 	snop  }
0xf0: {  	[tilespmem:s31], [sflag:$0x1] =	stream.indirect_vreg.gather [hbm4b:s2+s3], $0x80, v3, vm0, $0xb8;
	[tilespmem:$0x18100] =	vst v63  }
0xf1: {  	s15 =	simm.s32 $0x8100  }
0xf2: {  	[tilespmem:s15], [sflag:$0x1] =	stream.indirect_vreg.gather [hbm4b:s5+s3], $0x80, v3, vm0, $0xb8;
	[tilespmem:$0x18100] =	vst v63  }
0xf3: {  	s15 =	simm.s32 $0x8900  }
0xf4: {  	[tilespmem:s15], [sflag:$0x1] =	stream.indirect_vreg.gather [hbm4b:s6+s3], $0x80, v3, vm0, $0xb8;
	[tilespmem:$0x18100] =	vst v63  }
0xf5: {  	v3 =	vld [tilespmem:$0xB0];
	_ =	sdelay $0x4  }
0xf6: {  	v59 =	vshrl.u32 v3, $0x3  }
0xf7: {  	v4 =	vmul.u32 $0x30, v59  }
0xf8: {  	v3 =	vand.u32 $0x7, v3  }
0xf9: {  	v3 =	vor.u32 v3, v4  }
0xfa: {  	v4 =	vperm.xlane v3, v0;
	_ =	sdelay $0x1  }
0xfb: {  	v4 =	vadd.s32 v1, v4;
	_ =	sdelay $0x3  }
0xfc: {  	v3 =	vperm.xlane v3, v2  }
0xfd: {  	[tilespmem:s11], [sflag:$0x1] =	stream.indirect_vreg.gather [hbm4b:s2+s3], $0x80, v4, vm0, $0xb8;
	[tilespmem:$0x18100] =	vst v63  }
0xfe: {  	v3 =	vadd.s32 v1, v3  }
0xff: {  	[tilespmem:s8], [sflag:$0x1] =	stream.indirect_vreg.gather [hbm4b:s5+s3], $0x80, v4, vm0, $0xb8;
	[tilespmem:$0x18100] =	vst v63  }
0x100: {  	_ = 	snop  }
0x101: {  	[tilespmem:s9], [sflag:$0x1] =	stream.indirect_vreg.gather [hbm4b:s6+s3], $0x80, v4, vm0, $0xb8;
	[tilespmem:$0x18100] =	vst v63  }
0x102: {  	s15 =	simm.s32 $0xA900  }
0x103: {  	[tilespmem:s15], [sflag:$0x1] =	stream.indirect_vreg.gather [hbm4b:s2+s3], $0x80, v3, vm0, $0xb8;
	[tilespmem:$0x18100] =	vst v63  }
0x104: {  	_ = 	snop  }
0x105: {  	[tilespmem:s10], [sflag:$0x1] =	stream.indirect_vreg.gather [hbm4b:s5+s3], $0x80, v3, vm0, $0xb8;
	[tilespmem:$0x18100] =	vst v63  }
0x106: {  	s12 =	simm.s32 $0xB900  }
0x107: {  	[tilespmem:s12], [sflag:$0x1] =	stream.indirect_vreg.gather [hbm4b:s6+s3], $0x80, v3, vm0, $0xb8;
	[tilespmem:$0x18100] =	vst v63  }
0x108: {  	s15 =	rddreg [dreg:$0x4]  }
0x109: {  	[hbm4b:s15+s3] =	stream.linear.scatter [tilespmem:s1], [sflag:$0x4], $0xC000, $0x38;
	[tilespmem:$0x18100] =	vst v63  }
0x10a: {  	_ =	swait.ge [sflag:s0], $0xC000  }
0x10b: {  	[sflag:s0] =	ssyncset.done $0x0  }
0x10c: {  	[sflag:s0] =	ssyncadd.s32 $0xFFFF4000  }
0x10d: {  	_ =	swait.ge [sflag:s14], $0xC000  }
0x10e: {  	[sflag:s14] =	ssyncset.done $0x0  }
0x10f: {  	[sflag:s14] =	ssyncadd.s32 $0xFFFF4000  }
0x110: {  	v3 =	vld [tilespmem:$0xC0];
	_ =	sdelay $0x4  }
0x111: {  	v60 =	vshrl.u32 v3, $0x3  }
0x112: {  	v4 =	vmul.u32 $0x30, v60  }
0x113: {  	v3 =	vand.u32 $0x7, v3  }
0x114: {  	v3 =	vor.u32 v3, v4  }
0x115: {  	v4 =	vperm.xlane v3, v0;
	_ =	sdelay $0x1  }
0x116: {  	v4 =	vadd.s32 v1, v4;
	_ =	sdelay $0x3  }
0x117: {  	v3 =	vperm.xlane v3, v2  }
0x118: {  	[tilespmem:s1], [sflag:$0x2] =	stream.indirect_vreg.gather [hbm4b:s2+s3], $0x80, v4, vm0, $0xb8;
	[tilespmem:$0x18100] =	vst v63  }
0x119: {  	s8 =	simm.s32 $0xC900;
	v3 =	vadd.s32 v1, v3  }
0x11a: {  	[tilespmem:s8], [sflag:$0x2] =	stream.indirect_vreg.gather [hbm4b:s5+s3], $0x80, v4, vm0, $0xb8;
	[tilespmem:$0x18100] =	vst v63  }
0x11b: {  	s12 =	simm.s32 $0xD100  }
0x11c: {  	[tilespmem:s12], [sflag:$0x2] =	stream.indirect_vreg.gather [hbm4b:s6+s3], $0x80, v4, vm0, $0xb8;
	[tilespmem:$0x18100] =	vst v63  }
0x11d: {  	s15 =	simm.s32 $0xD900  }
0x11e: {  	[tilespmem:s15], [sflag:$0x2] =	stream.indirect_vreg.gather [hbm4b:s2+s3], $0x80, v3, vm0, $0xb8;
	[tilespmem:$0x18100] =	vst v63  }
0x11f: {  	s8 =	simm.s32 $0xE100  }
0x120: {  	[tilespmem:s8], [sflag:$0x2] =	stream.indirect_vreg.gather [hbm4b:s5+s3], $0x80, v3, vm0, $0xb8;
	[tilespmem:$0x18100] =	vst v63  }
0x121: {  	s12 =	simm.s32 $0xE900  }
0x122: {  	[tilespmem:s12], [sflag:$0x2] =	stream.indirect_vreg.gather [hbm4b:s6+s3], $0x80, v3, vm0, $0xb8;
	[tilespmem:$0x18100] =	vst v63  }
0x123: {  	v3 =	vld [tilespmem:$0xD0];
	_ =	sdelay $0x4  }
0x124: {  	v61 =	vshrl.u32 v3, $0x3  }
0x125: {  	v4 =	vmul.u32 $0x30, v61  }
0x126: {  	v3 =	vand.u32 $0x7, v3  }
0x127: {  	v3 =	vor.u32 v3, v4  }
0x128: {  	v4 =	vperm.xlane v3, v0;
	_ =	sdelay $0x1  }
0x129: {  	v4 =	vadd.s32 v1, v4;
	_ =	sdelay $0x3  }
0x12a: {  	s15 =	simm.s32 $0xF100;
	v3 =	vperm.xlane v3, v2  }
0x12b: {  	[tilespmem:s15], [sflag:$0x2] =	stream.indirect_vreg.gather [hbm4b:s2+s3], $0x80, v4, vm0, $0xb8;
	[tilespmem:$0x18100] =	vst v63  }
0x12c: {  	s8 =	simm.s32 $0xF900;
	v3 =	vadd.s32 v1, v3  }
0x12d: {  	[tilespmem:s8], [sflag:$0x2] =	stream.indirect_vreg.gather [hbm4b:s5+s3], $0x80, v4, vm0, $0xb8;
	[tilespmem:$0x18100] =	vst v63  }
0x12e: {  	s12 =	simm.s32 $0x10100  }
0x12f: {  	[tilespmem:s12], [sflag:$0x2] =	stream.indirect_vreg.gather [hbm4b:s6+s3], $0x80, v4, vm0, $0xb8;
	[tilespmem:$0x18100] =	vst v63  }
0x130: {  	s15 =	simm.s32 $0x10900  }
0x131: {  	[tilespmem:s15], [sflag:$0x2] =	stream.indirect_vreg.gather [hbm4b:s2+s3], $0x80, v3, vm0, $0xb8;
	[tilespmem:$0x18100] =	vst v63  }
0x132: {  	s8 =	simm.s32 $0x11100  }
0x133: {  	[tilespmem:s8], [sflag:$0x2] =	stream.indirect_vreg.gather [hbm4b:s5+s3], $0x80, v3, vm0, $0xb8;
	[tilespmem:$0x18100] =	vst v63  }
0x134: {  	s12 =	simm.s32 $0x11900  }
0x135: {  	[tilespmem:s12], [sflag:$0x2] =	stream.indirect_vreg.gather [hbm4b:s6+s3], $0x80, v3, vm0, $0xb8;
	[tilespmem:$0x18100] =	vst v63  }
0x136: {  	v3 =	vld [tilespmem:$0xE0];
	_ =	sdelay $0x4  }
0x137: {  	v62 =	vshrl.u32 v3, $0x3  }
0x138: {  	v4 =	vmul.u32 $0x30, v62  }
0x139: {  	v3 =	vand.u32 $0x7, v3  }
0x13a: {  	v3 =	vor.u32 v3, v4  }
0x13b: {  	v4 =	vperm.xlane v3, v0;
	_ =	sdelay $0x1  }
0x13c: {  	v4 =	vadd.s32 v1, v4;
	_ =	sdelay $0x3  }
0x13d: {  	s15 =	simm.s32 $0x12100;
	v3 =	vperm.xlane v3, v2  }
0x13e: {  	[tilespmem:s15], [sflag:$0x2] =	stream.indirect_vreg.gather [hbm4b:s2+s3], $0x80, v4, vm0, $0xb8;
	[tilespmem:$0x18100] =	vst v63  }
0x13f: {  	s8 =	simm.s32 $0x12900;
	v3 =	vadd.s32 v1, v3  }
0x140: {  	[tilespmem:s8], [sflag:$0x2] =	stream.indirect_vreg.gather [hbm4b:s5+s3], $0x80, v4, vm0, $0xb8;
	[tilespmem:$0x18100] =	vst v63  }
0x141: {  	s12 =	simm.s32 $0x13100  }
0x142: {  	[tilespmem:s12], [sflag:$0x2] =	stream.indirect_vreg.gather [hbm4b:s6+s3], $0x80, v4, vm0, $0xb8;
	[tilespmem:$0x18100] =	vst v63  }
0x143: {  	s15 =	simm.s32 $0x13900  }
0x144: {  	[tilespmem:s15], [sflag:$0x2] =	stream.indirect_vreg.gather [hbm4b:s2+s3], $0x80, v3, vm0, $0xb8;
	[tilespmem:$0x18100] =	vst v63  }
0x145: {  	s8 =	simm.s32 $0x14100  }
0x146: {  	[tilespmem:s8], [sflag:$0x2] =	stream.indirect_vreg.gather [hbm4b:s5+s3], $0x80, v3, vm0, $0xb8;
	[tilespmem:$0x18100] =	vst v63  }
0x147: {  	s12 =	simm.s32 $0x14900  }
0x148: {  	[tilespmem:s12], [sflag:$0x2] =	stream.indirect_vreg.gather [hbm4b:s6+s3], $0x80, v3, vm0, $0xb8;
	[tilespmem:$0x18100] =	vst v63  }
0x149: {  	v3 =	vld [tilespmem:$0xF0];
	_ =	sdelay $0x4  }
0x14a: {  	v63 =	vshrl.u32 v3, $0x3  }
0x14b: {  	v4 =	vmul.u32 $0x30, v63  }
0x14c: {  	v3 =	vand.u32 $0x7, v3  }
0x14d: {  	v3 =	vor.u32 v3, v4  }
0x14e: {  	v4 =	vperm.xlane v3, v0;
	_ =	sdelay $0x1  }
0x14f: {  	v4 =	vadd.s32 v1, v4;
	_ =	sdelay $0x3  }
0x150: {  	s15 =	simm.s32 $0x15100;
	v3 =	vperm.xlane v3, v2  }
0x151: {  	[tilespmem:s15], [sflag:$0x2] =	stream.indirect_vreg.gather [hbm4b:s2+s3], $0x80, v4, vm0, $0xb8;
	[tilespmem:$0x18100] =	vst v63  }
0x152: {  	s8 =	simm.s32 $0x15900;
	v3 =	vadd.s32 v1, v3  }
0x153: {  	[tilespmem:s8], [sflag:$0x2] =	stream.indirect_vreg.gather [hbm4b:s5+s3], $0x80, v4, vm0, $0xb8;
	[tilespmem:$0x18100] =	vst v63  }
0x154: {  	s12 =	simm.s32 $0x16100  }
0x155: {  	[tilespmem:s12], [sflag:$0x2] =	stream.indirect_vreg.gather [hbm4b:s6+s3], $0x80, v4, vm0, $0xb8;
	[tilespmem:$0x18100] =	vst v63  }
0x156: {  	s15 =	simm.s32 $0x16900  }
0x157: {  	[tilespmem:s15], [sflag:$0x2] =	stream.indirect_vreg.gather [hbm4b:s2+s3], $0x80, v3, vm0, $0xb8;
	[tilespmem:$0x18100] =	vst v63  }
0x158: {  	s8 =	simm.s32 $0x17100  }
0x159: {  	[tilespmem:s8], [sflag:$0x2] =	stream.indirect_vreg.gather [hbm4b:s5+s3], $0x80, v3, vm0, $0xb8;
	[tilespmem:$0x18100] =	vst v63  }
0x15a: {  	s12 =	simm.s32 $0x17900  }
0x15b: {  	[tilespmem:s12], [sflag:$0x2] =	stream.indirect_vreg.gather [hbm4b:s6+s3], $0x80, v3, vm0, $0xb8;
	[tilespmem:$0x18100] =	vst v63  }
0x15c: {  	s15 =	rddreg [dreg:$0x5];
	s8 =	simm.s32 $0x100  }
0x15d: {  	[hbm4b:s15+s3] =	stream.linear.scatter [tilespmem:s8], [sflag:$0x3], $0xC000, $0x38;
	[tilespmem:$0x18100] =	vst v63  }
0x15e: {  	_ =	swait.ge [sflag:s4], $0xC000  }
0x15f: {  	[sflag:s4] =	ssyncset.done $0x0  }
0x160: {  	[sflag:s4] =	ssyncadd.s32 $0xFFFF4000  }
0x161: {  	_ =	swait.ge [sflag:s13], $0xC000  }
0x162: {  	p0 =	sne.s32 s7, $0x1;
	[sflag:s13] =	ssyncset.done $0x0  }
.Ltmp0:
0x163: {  	s12 =	rddreg [dreg:$0x6];
	[sflag:s13] =	ssyncadd.s32 $0xFFFF4000;
	(pc) =	sbr.rel @p0 .LBB2_1-.Ltmp0, $4  }
0x164: {  	[hbm4b:s12+s3] =	stream.linear.scatter [tilespmem:s1], [sflag:$0x4], $0xC000, $0x38;
	[tilespmem:$0x18100] =	vst v63  }
0x165: {  	_ =	swait.ge [sflag:s14], $0xC000  }
0x166: {  	[sflag:s14] =	ssyncset.done $0x0  }
0x167: {  	s7 =	sadd.s32 $0xFFFFFFFF, s7;
	[sflag:s14] =	ssyncadd.s32 $0xFFFF4000  }
0x168: {  	_ =	sfence.sel $0x180000  }
0x169: {  	[bflag:$0x0] =	sbarrier.arrive $0xFFFF  }
0x16a: {  	_ =	strace $0x9000004A  }
0x16b: {  	s0 =	stileid.u32;
	[bflag:$0x2] =	sbarrier.arrive $0xFFFF  }
0x16c: {  	p0 =	sne.s32 s0, $0x0;
	s0 =	rddreg [dreg:$0x2]  }
0x16d: {  	s0 =	sadd.s32 @!p0 $0x100000, s0  }
0x16e: {  	[sflag:s0] =	ssyncadd.tile.s32 @!p0 $0x1;
	_ =	shalt  }
.Lfunc_end2:
_tile_overlayer_lowered:
.L_overlay_start_2:
0x16f: {  	(tag) =	ssettag $0x2  }
0x170: {  	s0 =	rddreg [dreg:$0x0];
	s2 =	stileid.u32  }
0x171: {  	s1 =	rddreg [dreg:$0x1];
	p0 =	sne.s32 s2, $0x0  }
0x172: {  	s3 =	rddreg [dreg:$0x2];
	[bflag:$0x3] =	sbarrier.arrive $0xFFFF;
	s2 =	simm.s32 @!p0 $0x1C05  }
0x173: {  	[timem:s3], [sflag:s2] =	dma.local @!p0 [hbm:s0], s1  }
0x174: {  	s0 =	simm.s32 @!p0 $0x5  }
0x175: {  	_ =	swait.ge @!p0 [sflag:s0], s1  }
0x176: {  	s1 =	ssub.s32 @!p0 $0x0, s1;
	[sflag:s0] =	ssyncset.done @!p0 $0x0  }
0x177: {  	[sflag:s0] =	ssyncadd.s32 @!p0 s1  }
0x178: {  	[bflag:$0x3] =	sbarrier.arrive $0xFFFF  }
0x179: {  	_ =	shalt  }

</sc_bundles>
